<compile_context>
chip_gen: v7x
topology: tpu7x:2x2x1
jax: 0.10.2.dev20260603
libtpu: 0.0.44.dev20260713+nightly
codegen_flags: <defaults>
</compile_context>

<pallas_src>
import functools

import jax
import jax.numpy as jnp
from jax import lax
from jax.experimental import pallas as pl
from jax.experimental.pallas import tpu as pltpu
from jax.experimental.pallas import tpu_sc as plsc

T, D, F, E = 32, 2048, 2048, 16
BF = 512
NF = F // BF
NSUB = 16
TPW = T // NSUB


def _sc_router(x_hbm, rk_hbm, fw_hbm, order_hbm,
               rk_v, x_v, row_v, orow_v, mat_v, act_sh):
    cid = lax.axis_index("c")
    sid = lax.axis_index("s")

    @pl.when(cid == 0)
    def _():
        pltpu.sync_copy(rk_hbm, rk_v)
        iota = lax.iota(jnp.int32, E)
        act = jnp.zeros((E,), jnp.float32)
        for j in range(TPW):
            t = sid * TPW + j
            pltpu.sync_copy(x_hbm.at[t], x_v)

            def body(c, acc):
                base = c * 16
                xc = x_v[pl.ds(base, 16)]
                for k in range(16):
                    acc = acc + xc[k] * rk_v[pl.ds((base + k) * E, E)]
                return acc

            logits = lax.fori_loop(0, D // 16, body,
                                   jnp.zeros((E,), jnp.float32))
            m = jnp.max(logits)
            ex = jnp.exp(logits - m)
            p = ex / jnp.full((E,), jnp.sum(ex))
            m1 = jnp.max(p)
            a1 = jnp.min(jnp.where(p == m1, iota, E))
            pm = jnp.where(iota == a1, -1.0, p)
            m2 = jnp.max(pm)
            a2 = jnp.min(jnp.where(pm == m2, iota, E))
            e2 = jnp.exp(jnp.full((E,), m2 - m1, jnp.float32))
            inv = 1.0 / (1.0 + e2)
            sel1 = iota == a1
            sel2 = iota == a2
            row_v[...] = (jnp.where(sel1, inv, 0.0)
                          + jnp.where(sel2, e2 * inv, 0.0))
            sel = sel1 | sel2
            pltpu.sync_copy(row_v, fw_hbm.at[t])
            act = jnp.maximum(act, jnp.where(sel, 1.0, 0.0))
        row_v[...] = act
        pltpu.sync_copy(row_v, act_sh.at[sid])
        plsc.subcore_barrier()

        @pl.when(sid == 0)
        def _():
            pltpu.sync_copy(act_sh, mat_v)
            acc = mat_v[0, :]
            for i in range(1, NSUB):
                acc = jnp.maximum(acc, mat_v[i, :])
            prev = plsc.cummax(jnp.where(acc > 0.0, iota, -1))
            first_a = jnp.min(jnp.where(acc > 0.0, iota, E))
            orow_v[...] = jnp.where(prev >= 0, prev, first_a)
            pltpu.sync_copy(orow_v, order_hbm)


_sc_router_call = functools.partial(
    pl.kernel,
    out_type=(jax.ShapeDtypeStruct((T, E), jnp.float32),
              jax.ShapeDtypeStruct((E,), jnp.int32)),
    mesh=plsc.VectorSubcoreMesh(core_axis_name="c", subcore_axis_name="s"),
    scratch_types=[
        pltpu.VMEM((D * E,), jnp.float32),
        pltpu.VMEM((D,), jnp.float32),
        pltpu.VMEM((E,), jnp.float32),
        pltpu.VMEM((E,), jnp.int32),
        pltpu.VMEM((NSUB, E), jnp.float32),
        pltpu.VMEM_SHARED((NSUB, E), jnp.float32),
    ],
    compiler_params=pltpu.CompilerParams(needs_layout_passes=False),
)(_sc_router)


def _moe_kernel(order_ref, x_ref, fw_ref, wg_ref, wu_ref, wd_ref, out_ref):
    f = pl.program_id(0)
    s = pl.program_id(1)

    @pl.when((f == 0) & (s == 0))
    def _():
        out_ref[...] = jnp.zeros_like(out_ref)

    @pl.when(order_ref[s] == s)
    def _():
        x = x_ref[...]
        gate = jnp.dot(x, wg_ref[0], preferred_element_type=jnp.float32)
        up = jnp.dot(x, wu_ref[0], preferred_element_type=jnp.float32)
        hidden = (gate * jax.lax.logistic(gate)) * up
        contrib = jnp.dot(hidden, wd_ref[0], preferred_element_type=jnp.float32)
        iota = jax.lax.broadcasted_iota(jnp.int32, (T, E), 1)
        scale = jnp.sum(jnp.where(iota == s, fw_ref[...], 0.0), axis=1,
                        keepdims=True)
        out_ref[...] += contrib * scale


def kernel(x, router_kernel, w_gate, w_up, w_down):
    fw, order = _sc_router_call(x, router_kernel.reshape(D * E))
    return pl.pallas_call(
        _moe_kernel,
        grid_spec=pltpu.PrefetchScalarGridSpec(
            num_scalar_prefetch=1,
            grid=(NF, E),
            in_specs=[
                pl.BlockSpec((T, D), lambda f, s, order: (0, 0)),
                pl.BlockSpec((T, E), lambda f, s, order: (0, 0)),
                pl.BlockSpec((1, D, BF), lambda f, s, order: (order[s], 0, f)),
                pl.BlockSpec((1, D, BF), lambda f, s, order: (order[s], 0, f)),
                pl.BlockSpec((1, BF, D), lambda f, s, order: (order[s], f, 0)),
            ],
            out_specs=pl.BlockSpec((1, T, D), lambda f, s, order: (0, 0, 0)),
        ),
        out_shape=jax.ShapeDtypeStruct((1, T, D), jnp.float32),
        compiler_params=pltpu.CompilerParams(
            dimension_semantics=("arbitrary", "arbitrary")),
    )(order, x, fw, w_gate, w_up, w_down)[0]

# --- scband reference (transcript-rebuilt; emitter-appended) ---
"""Pipeline reference for scband-mo-e-53515292508963 (READ-ONLY COPY).

The authoritative reference and input builder live on the scoring server;
editing this copy changes nothing except your own understanding.
"""

import jax, jax.numpy as jnp
import numpy as np

T, D, F, E, K = 32, 2048, 2048, 16, 2


def setup_inputs(seed: int = 0) -> dict:
    key = jax.random.key(seed)
    ks = jax.random.split(key, 5)
    x = jax.random.normal(ks[0], (T, D), dtype=jnp.float32)
    router_kernel = jax.random.normal(ks[1], (D, E), dtype=jnp.float32) * 0.02
    w_gate = jax.random.normal(ks[2], (E, D, F), dtype=jnp.float32) * 0.02
    w_up = jax.random.normal(ks[3], (E, D, F), dtype=jnp.float32) * 0.02
    w_down = jax.random.normal(ks[4], (E, F, D), dtype=jnp.float32) * 0.02
    return {"x": x, "router_kernel": router_kernel, "w_gate": w_gate, "w_up": w_up, "w_down": w_down}


def reference(x, router_kernel, w_gate, w_up, w_down):
    # Router: logits -> softmax -> top_k -> renormalize selected weights
    x = x.astype(jnp.float32)
    router_logits_TE = jnp.einsum('TD,DE->TE', x, router_kernel)
    activated_gating_TE = jax.nn.softmax(router_logits_TE.astype(jnp.float32), axis=-1)
    weights_TX, selected_experts_TX = jax.lax.top_k(activated_gating_TE, K)
    normalized_weights_TX = jax.nn.softmax(weights_TX, axis=-1)
    # MoE combine weights: scatter top-k weights into dense (T, E) via one-hot
    one_hot_TXE = jax.nn.one_hot(selected_experts_TX, E, dtype=jnp.float32)
    full_weights_TE = jnp.sum(one_hot_TXE * normalized_weights_TX[..., None], axis=1)
    # Dense expert forward (apply_expert_weight_before_computation = False)
    gate_TEF = jnp.einsum('TD,EDF->TEF', x, w_gate)
    up_TEF = jnp.einsum('TD,EDF->TEF', x, w_up)
    hidden_TEF = jax.nn.silu(gate_TEF) * up_TEF
    out_TED = jnp.einsum('TEF,EFD->TED', hidden_TEF, w_down)
    out_TD = jnp.einsum('TED,TE->TD', out_TED, full_weights_TE)
    return out_TD

if __name__ == "__main__":
    import jax
    _d = setup_inputs()
    print(jax.jit(kernel)(*tuple(_d.values())))

</pallas_src>

<mosaic_0001>
#map = affine_map<(d0, d1) -> (0, 0)>
#map1 = affine_map<(d0, d1) -> (0)>
module attributes {stable_mosaic.version = 14 : i64} {
  func.func @_sc_router(%arg0: i32, %arg1: i32, %arg2: memref<32x2048xf32, #tpu.memory_space<hbm>>, %arg3: memref<32768xf32, #tpu.memory_space<hbm>>, %arg4: memref<32x16xf32, #tpu.memory_space<hbm>>, %arg5: memref<16xi32, #tpu.memory_space<hbm>>, %arg6: memref<32768xf32, #tpu.memory_space<vmem>>, %arg7: memref<2048xf32, #tpu.memory_space<vmem>>, %arg8: memref<16xf32, #tpu.memory_space<vmem>>, %arg9: memref<16xi32, #tpu.memory_space<vmem>>, %arg10: memref<16x16xf32, #tpu.memory_space<vmem>>, %arg11: memref<16x16xf32, #tpu.memory_space<vmem_shared>>) attributes {dimension_semantics = [#tpu.dimension_semantics<core_parallel>, #tpu.dimension_semantics<subcore_parallel>], iteration_bounds = array<i64: 2, 16>, scalar_prefetch = 0 : i64, scratch_operands = 6 : i64, tpu.core_type = #tpu.core_type<sc_vector_subcore>, window_params = [{transform_indices = #map}, {transform_indices = #map1}, {transform_indices = #map}, {transform_indices = #map1}]} {
    %eq3A = arith.constant 0 : i32
    %eq3A_0 = arith.cmpi eq, %arg0, %eq3A : i32
    %convert_element_type3A = arith.extui %eq3A_0 : i1 to i32
    %cond3A = arith.constant 0 : i32
    %cond3A_1 = arith.cmpi ne, %convert_element_type3A, %cond3A : i32
    scf.if %cond3A_1 {
      "tpu.region"() ({
        %run_scoped3A = tpu.sem_alloc : memref<!tpu.dma_semaphore, #tpu.memory_space<semaphore_mem>>
        tpu.enqueue_dma source(%arg3 : memref<32768xf32, #tpu.memory_space<hbm>>) target(%arg6 : memref<32768xf32, #tpu.memory_space<vmem>>) target_semaphore(%run_scoped3A : memref<!tpu.dma_semaphore, #tpu.memory_space<semaphore_mem>>)
        tpu.wait_dma2 semaphore(%run_scoped3A : memref<!tpu.dma_semaphore, #tpu.memory_space<semaphore_mem>>) src(%arg3 : memref<32768xf32, #tpu.memory_space<hbm>>) dst(%arg6 : memref<32768xf32, #tpu.memory_space<vmem>>)
        tpu.yield
      }) : () -> ()
      %iota3A = tpu.iota {dimensions = array<i32: 0>} : vector<16xi32>
      %broadcast_in_dim3A = arith.constant 0.000000e+00 : f32
      %broadcast_in_dim3A_2 = vector.broadcast %broadcast_in_dim3A : f32 to vector<16xf32>
      %mul3A = arith.constant 2 : i32
      %mul3A_3 = arith.muli %arg1, %mul3A : i32
      %add3A = arith.constant 0 : i32
      %add3A_4 = arith.addi %mul3A_3, %add3A : i32
      "tpu.region"() ({
        %run_scoped3A = tpu.sem_alloc : memref<!tpu.dma_semaphore, #tpu.memory_space<semaphore_mem>>
        %dma_start3A = arith.constant 0 : i32
        %dma_start3A_184 = tpu.memref_slice %arg2[%add3A_4, %dma_start3A] : memref<32x2048xf32, #tpu.memory_space<hbm>> -> memref<1x2048xf32, #tpu.memory_space<hbm>>
        %dma_start3A_185 = tpu.memref_squeeze %dma_start3A_184 : memref<1x2048xf32, #tpu.memory_space<hbm>> -> memref<2048xf32, #tpu.memory_space<hbm>>
        %dma_start3A_186 = arith.constant 0 : i32
        %dma_start3A_187 = tpu.memref_slice %arg2[%add3A_4, %dma_start3A_186] : memref<32x2048xf32, #tpu.memory_space<hbm>> -> memref<1x2048xf32, #tpu.memory_space<hbm>>
        %dma_start3A_188 = tpu.memref_squeeze %dma_start3A_187 : memref<1x2048xf32, #tpu.memory_space<hbm>> -> memref<2048xf32, #tpu.memory_space<hbm>>
        tpu.enqueue_dma source(%dma_start3A_188 : memref<2048xf32, #tpu.memory_space<hbm>>) target(%arg7 : memref<2048xf32, #tpu.memory_space<vmem>>) target_semaphore(%run_scoped3A : memref<!tpu.dma_semaphore, #tpu.memory_space<semaphore_mem>>)
        %dma_wait3A = arith.constant 0 : i32
        %dma_wait3A_189 = tpu.memref_slice %arg2[%add3A_4, %dma_wait3A] : memref<32x2048xf32, #tpu.memory_space<hbm>> -> memref<1x2048xf32, #tpu.memory_space<hbm>>
        %dma_wait3A_190 = tpu.memref_squeeze %dma_wait3A_189 : memref<1x2048xf32, #tpu.memory_space<hbm>> -> memref<2048xf32, #tpu.memory_space<hbm>>
        %dma_wait3A_191 = arith.constant 0 : i32
        %dma_wait3A_192 = tpu.memref_slice %arg2[%add3A_4, %dma_wait3A_191] : memref<32x2048xf32, #tpu.memory_space<hbm>> -> memref<1x2048xf32, #tpu.memory_space<hbm>>
        %dma_wait3A_193 = tpu.memref_squeeze %dma_wait3A_192 : memref<1x2048xf32, #tpu.memory_space<hbm>> -> memref<2048xf32, #tpu.memory_space<hbm>>
        tpu.wait_dma2 semaphore(%run_scoped3A : memref<!tpu.dma_semaphore, #tpu.memory_space<semaphore_mem>>) src(%dma_wait3A_193 : memref<2048xf32, #tpu.memory_space<hbm>>) dst(%arg7 : memref<2048xf32, #tpu.memory_space<vmem>>)
        tpu.yield
      }) : () -> ()
      %broadcast_in_dim3A_5 = arith.constant 0.000000e+00 : f32
      %broadcast_in_dim3A_6 = vector.broadcast %broadcast_in_dim3A_5 : f32 to vector<16xf32>
      %scan3A = arith.constant 0 : i32
      %scan3A_7 = arith.constant 128 : i32
      %scan3A_8 = arith.addi %scan3A, %scan3A_7 : i32
      %scan3A_9 = arith.constant 1 : i32
      %scan3A_10 = scf.for %scan3A_184 = %scan3A to %scan3A_8 step %scan3A_9 iter_args(%scan3A_185 = %broadcast_in_dim3A_6) -> (vector<16xf32>)  : i32 {
        %mul3A_186 = arith.constant 16 : i32
        %mul3A_187 = arith.muli %scan3A_184, %mul3A_186 : i32
        %get3A = arith.index_cast %mul3A_187 : i32 to index
        %get3A_188 = tpu.vector_load %arg7[%get3A] {strides = array<i32>} : memref<2048xf32, #tpu.memory_space<vmem>>, vector<16xf32>,
        %slice3A = vector.extract_strided_slice %get3A_188 {offsets = [0], sizes = [1], strides = [1]} : vector<16xf32> to vector<1xf32>
        %squeeze3A = vector.extract %slice3A[0] : f32 from vector<1xf32>
        %add3A_189 = arith.constant 0 : i32
        %add3A_190 = arith.addi %mul3A_187, %add3A_189 : i32
        %mul3A_191 = arith.constant 16 : i32
        %mul3A_192 = arith.muli %add3A_190, %mul3A_191 : i32
        %get3A_193 = arith.index_cast %mul3A_192 : i32 to index
        %get3A_194 = tpu.vector_load %arg6[%get3A_193] {strides = array<i32>} : memref<32768xf32, #tpu.memory_space<vmem>>, vector<16xf32>,
        %mul3A_195 = vector.broadcast %squeeze3A : f32 to vector<16xf32>
        %mul3A_196 = arith.mulf %mul3A_195, %get3A_194 : vector<16xf32>
        %add3A_197 = arith.addf %scan3A_185, %mul3A_196 : vector<16xf32>
        %slice3A_198 = vector.extract_strided_slice %get3A_188 {offsets = [1], sizes = [1], strides = [1]} : vector<16xf32> to vector<1xf32>
        %squeeze3A_199 = vector.extract %slice3A_198[0] : f32 from vector<1xf32>
        %add3A_200 = arith.constant 1 : i32
        %add3A_201 = arith.addi %mul3A_187, %add3A_200 : i32
        %mul3A_202 = arith.constant 16 : i32
        %mul3A_203 = arith.muli %add3A_201, %mul3A_202 : i32
        %get3A_204 = arith.index_cast %mul3A_203 : i32 to index
        %get3A_205 = tpu.vector_load %arg6[%get3A_204] {strides = array<i32>} : memref<32768xf32, #tpu.memory_space<vmem>>, vector<16xf32>,
        %mul3A_206 = vector.broadcast %squeeze3A_199 : f32 to vector<16xf32>
        %mul3A_207 = arith.mulf %mul3A_206, %get3A_205 : vector<16xf32>
        %add3A_208 = arith.addf %add3A_197, %mul3A_207 : vector<16xf32>
        %slice3A_209 = vector.extract_strided_slice %get3A_188 {offsets = [2], sizes = [1], strides = [1]} : vector<16xf32> to vector<1xf32>
        %squeeze3A_210 = vector.extract %slice3A_209[0] : f32 from vector<1xf32>
        %add3A_211 = arith.constant 2 : i32
        %add3A_212 = arith.addi %mul3A_187, %add3A_211 : i32
        %mul3A_213 = arith.constant 16 : i32
        %mul3A_214 = arith.muli %add3A_212, %mul3A_213 : i32
        %get3A_215 = arith.index_cast %mul3A_214 : i32 to index
        %get3A_216 = tpu.vector_load %arg6[%get3A_215] {strides = array<i32>} : memref<32768xf32, #tpu.memory_space<vmem>>, vector<16xf32>,
        %mul3A_217 = vector.broadcast %squeeze3A_210 : f32 to vector<16xf32>
        %mul3A_218 = arith.mulf %mul3A_217, %get3A_216 : vector<16xf32>
        %add3A_219 = arith.addf %add3A_208, %mul3A_218 : vector<16xf32>
        %slice3A_220 = vector.extract_strided_slice %get3A_188 {offsets = [3], sizes = [1], strides = [1]} : vector<16xf32> to vector<1xf32>
        %squeeze3A_221 = vector.extract %slice3A_220[0] : f32 from vector<1xf32>
        %add3A_222 = arith.constant 3 : i32
        %add3A_223 = arith.addi %mul3A_187, %add3A_222 : i32
        %mul3A_224 = arith.constant 16 : i32
        %mul3A_225 = arith.muli %add3A_223, %mul3A_224 : i32
        %get3A_226 = arith.index_cast %mul3A_225 : i32 to index
        %get3A_227 = tpu.vector_load %arg6[%get3A_226] {strides = array<i32>} : memref<32768xf32, #tpu.memory_space<vmem>>, vector<16xf32>,
        %mul3A_228 = vector.broadcast %squeeze3A_221 : f32 to vector<16xf32>
        %mul3A_229 = arith.mulf %mul3A_228, %get3A_227 : vector<16xf32>
        %add3A_230 = arith.addf %add3A_219, %mul3A_229 : vector<16xf32>
        %slice3A_231 = vector.extract_strided_slice %get3A_188 {offsets = [4], sizes = [1], strides = [1]} : vector<16xf32> to vector<1xf32>
        %squeeze3A_232 = vector.extract %slice3A_231[0] : f32 from vector<1xf32>
        %add3A_233 = arith.constant 4 : i32
        %add3A_234 = arith.addi %mul3A_187, %add3A_233 : i32
        %mul3A_235 = arith.constant 16 : i32
        %mul3A_236 = arith.muli %add3A_234, %mul3A_235 : i32
        %get3A_237 = arith.index_cast %mul3A_236 : i32 to index
        %get3A_238 = tpu.vector_load %arg6[%get3A_237] {strides = array<i32>} : memref<32768xf32, #tpu.memory_space<vmem>>, vector<16xf32>,
        %mul3A_239 = vector.broadcast %squeeze3A_232 : f32 to vector<16xf32>
        %mul3A_240 = arith.mulf %mul3A_239, %get3A_238 : vector<16xf32>
        %add3A_241 = arith.addf %add3A_230, %mul3A_240 : vector<16xf32>
        %slice3A_242 = vector.extract_strided_slice %get3A_188 {offsets = [5], sizes = [1], strides = [1]} : vector<16xf32> to vector<1xf32>
        %squeeze3A_243 = vector.extract %slice3A_242[0] : f32 from vector<1xf32>
        %add3A_244 = arith.constant 5 : i32
        %add3A_245 = arith.addi %mul3A_187, %add3A_244 : i32
        %mul3A_246 = arith.constant 16 : i32
        %mul3A_247 = arith.muli %add3A_245, %mul3A_246 : i32
        %get3A_248 = arith.index_cast %mul3A_247 : i32 to index
        %get3A_249 = tpu.vector_load %arg6[%get3A_248] {strides = array<i32>} : memref<32768xf32, #tpu.memory_space<vmem>>, vector<16xf32>,
        %mul3A_250 = vector.broadcast %squeeze3A_243 : f32 to vector<16xf32>
        %mul3A_251 = arith.mulf %mul3A_250, %get3A_249 : vector<16xf32>
        %add3A_252 = arith.addf %add3A_241, %mul3A_251 : vector<16xf32>
        %slice3A_253 = vector.extract_strided_slice %get3A_188 {offsets = [6], sizes = [1], strides = [1]} : vector<16xf32> to vector<1xf32>
        %squeeze3A_254 = vector.extract %slice3A_253[0] : f32 from vector<1xf32>
        %add3A_255 = arith.constant 6 : i32
        %add3A_256 = arith.addi %mul3A_187, %add3A_255 : i32
        %mul3A_257 = arith.constant 16 : i32
        %mul3A_258 = arith.muli %add3A_256, %mul3A_257 : i32
        %get3A_259 = arith.index_cast %mul3A_258 : i32 to index
        %get3A_260 = tpu.vector_load %arg6[%get3A_259] {strides = array<i32>} : memref<32768xf32, #tpu.memory_space<vmem>>, vector<16xf32>,
        %mul3A_261 = vector.broadcast %squeeze3A_254 : f32 to vector<16xf32>
        %mul3A_262 = arith.mulf %mul3A_261, %get3A_260 : vector<16xf32>
        %add3A_263 = arith.addf %add3A_252, %mul3A_262 : vector<16xf32>
        %slice3A_264 = vector.extract_strided_slice %get3A_188 {offsets = [7], sizes = [1], strides = [1]} : vector<16xf32> to vector<1xf32>
        %squeeze3A_265 = vector.extract %slice3A_264[0] : f32 from vector<1xf32>
        %add3A_266 = arith.constant 7 : i32
        %add3A_267 = arith.addi %mul3A_187, %add3A_266 : i32
        %mul3A_268 = arith.constant 16 : i32
        %mul3A_269 = arith.muli %add3A_267, %mul3A_268 : i32
        %get3A_270 = arith.index_cast %mul3A_269 : i32 to index
        %get3A_271 = tpu.vector_load %arg6[%get3A_270] {strides = array<i32>} : memref<32768xf32, #tpu.memory_space<vmem>>, vector<16xf32>,
        %mul3A_272 = vector.broadcast %squeeze3A_265 : f32 to vector<16xf32>
        %mul3A_273 = arith.mulf %mul3A_272, %get3A_271 : vector<16xf32>
        %add3A_274 = arith.addf %add3A_263, %mul3A_273 : vector<16xf32>
        %slice3A_275 = vector.extract_strided_slice %get3A_188 {offsets = [8], sizes = [1], strides = [1]} : vector<16xf32> to vector<1xf32>
        %squeeze3A_276 = vector.extract %slice3A_275[0] : f32 from vector<1xf32>
        %add3A_277 = arith.constant 8 : i32
        %add3A_278 = arith.addi %mul3A_187, %add3A_277 : i32
        %mul3A_279 = arith.constant 16 : i32
        %mul3A_280 = arith.muli %add3A_278, %mul3A_279 : i32
        %get3A_281 = arith.index_cast %mul3A_280 : i32 to index
        %get3A_282 = tpu.vector_load %arg6[%get3A_281] {strides = array<i32>} : memref<32768xf32, #tpu.memory_space<vmem>>, vector<16xf32>,
        %mul3A_283 = vector.broadcast %squeeze3A_276 : f32 to vector<16xf32>
        %mul3A_284 = arith.mulf %mul3A_283, %get3A_282 : vector<16xf32>
        %add3A_285 = arith.addf %add3A_274, %mul3A_284 : vector<16xf32>
        %slice3A_286 = vector.extract_strided_slice %get3A_188 {offsets = [9], sizes = [1], strides = [1]} : vector<16xf32> to vector<1xf32>
        %squeeze3A_287 = vector.extract %slice3A_286[0] : f32 from vector<1xf32>
        %add3A_288 = arith.constant 9 : i32
        %add3A_289 = arith.addi %mul3A_187, %add3A_288 : i32
        %mul3A_290 = arith.constant 16 : i32
        %mul3A_291 = arith.muli %add3A_289, %mul3A_290 : i32
        %get3A_292 = arith.index_cast %mul3A_291 : i32 to index
        %get3A_293 = tpu.vector_load %arg6[%get3A_292] {strides = array<i32>} : memref<32768xf32, #tpu.memory_space<vmem>>, vector<16xf32>,
        %mul3A_294 = vector.broadcast %squeeze3A_287 : f32 to vector<16xf32>
        %mul3A_295 = arith.mulf %mul3A_294, %get3A_293 : vector<16xf32>
        %add3A_296 = arith.addf %add3A_285, %mul3A_295 : vector<16xf32>
        %slice3A_297 = vector.extract_strided_slice %get3A_188 {offsets = [10], sizes = [1], strides = [1]} : vector<16xf32> to vector<1xf32>
        %squeeze3A_298 = vector.extract %slice3A_297[0] : f32 from vector<1xf32>
        %add3A_299 = arith.constant 10 : i32
        %add3A_300 = arith.addi %mul3A_187, %add3A_299 : i32
        %mul3A_301 = arith.constant 16 : i32
        %mul3A_302 = arith.muli %add3A_300, %mul3A_301 : i32
        %get3A_303 = arith.index_cast %mul3A_302 : i32 to index
        %get3A_304 = tpu.vector_load %arg6[%get3A_303] {strides = array<i32>} : memref<32768xf32, #tpu.memory_space<vmem>>, vector<16xf32>,
        %mul3A_305 = vector.broadcast %squeeze3A_298 : f32 to vector<16xf32>
        %mul3A_306 = arith.mulf %mul3A_305, %get3A_304 : vector<16xf32>
        %add3A_307 = arith.addf %add3A_296, %mul3A_306 : vector<16xf32>
        %slice3A_308 = vector.extract_strided_slice %get3A_188 {offsets = [11], sizes = [1], strides = [1]} : vector<16xf32> to vector<1xf32>
        %squeeze3A_309 = vector.extract %slice3A_308[0] : f32 from vector<1xf32>
        %add3A_310 = arith.constant 11 : i32
        %add3A_311 = arith.addi %mul3A_187, %add3A_310 : i32
        %mul3A_312 = arith.constant 16 : i32
        %mul3A_313 = arith.muli %add3A_311, %mul3A_312 : i32
        %get3A_314 = arith.index_cast %mul3A_313 : i32 to index
        %get3A_315 = tpu.vector_load %arg6[%get3A_314] {strides = array<i32>} : memref<32768xf32, #tpu.memory_space<vmem>>, vector<16xf32>,
        %mul3A_316 = vector.broadcast %squeeze3A_309 : f32 to vector<16xf32>
        %mul3A_317 = arith.mulf %mul3A_316, %get3A_315 : vector<16xf32>
        %add3A_318 = arith.addf %add3A_307, %mul3A_317 : vector<16xf32>
        %slice3A_319 = vector.extract_strided_slice %get3A_188 {offsets = [12], sizes = [1], strides = [1]} : vector<16xf32> to vector<1xf32>
        %squeeze3A_320 = vector.extract %slice3A_319[0] : f32 from vector<1xf32>
        %add3A_321 = arith.constant 12 : i32
        %add3A_322 = arith.addi %mul3A_187, %add3A_321 : i32
        %mul3A_323 = arith.constant 16 : i32
        %mul3A_324 = arith.muli %add3A_322, %mul3A_323 : i32
        %get3A_325 = arith.index_cast %mul3A_324 : i32 to index
        %get3A_326 = tpu.vector_load %arg6[%get3A_325] {strides = array<i32>} : memref<32768xf32, #tpu.memory_space<vmem>>, vector<16xf32>,
        %mul3A_327 = vector.broadcast %squeeze3A_320 : f32 to vector<16xf32>
        %mul3A_328 = arith.mulf %mul3A_327, %get3A_326 : vector<16xf32>
        %add3A_329 = arith.addf %add3A_318, %mul3A_328 : vector<16xf32>
        %slice3A_330 = vector.extract_strided_slice %get3A_188 {offsets = [13], sizes = [1], strides = [1]} : vector<16xf32> to vector<1xf32>
        %squeeze3A_331 = vector.extract %slice3A_330[0] : f32 from vector<1xf32>
        %add3A_332 = arith.constant 13 : i32
        %add3A_333 = arith.addi %mul3A_187, %add3A_332 : i32
        %mul3A_334 = arith.constant 16 : i32
        %mul3A_335 = arith.muli %add3A_333, %mul3A_334 : i32
        %get3A_336 = arith.index_cast %mul3A_335 : i32 to index
        %get3A_337 = tpu.vector_load %arg6[%get3A_336] {strides = array<i32>} : memref<32768xf32, #tpu.memory_space<vmem>>, vector<16xf32>,
        %mul3A_338 = vector.broadcast %squeeze3A_331 : f32 to vector<16xf32>
        %mul3A_339 = arith.mulf %mul3A_338, %get3A_337 : vector<16xf32>
        %add3A_340 = arith.addf %add3A_329, %mul3A_339 : vector<16xf32>
        %slice3A_341 = vector.extract_strided_slice %get3A_188 {offsets = [14], sizes = [1], strides = [1]} : vector<16xf32> to vector<1xf32>
        %squeeze3A_342 = vector.extract %slice3A_341[0] : f32 from vector<1xf32>
        %add3A_343 = arith.constant 14 : i32
        %add3A_344 = arith.addi %mul3A_187, %add3A_343 : i32
        %mul3A_345 = arith.constant 16 : i32
        %mul3A_346 = arith.muli %add3A_344, %mul3A_345 : i32
        %get3A_347 = arith.index_cast %mul3A_346 : i32 to index
        %get3A_348 = tpu.vector_load %arg6[%get3A_347] {strides = array<i32>} : memref<32768xf32, #tpu.memory_space<vmem>>, vector<16xf32>,
        %mul3A_349 = vector.broadcast %squeeze3A_342 : f32 to vector<16xf32>
        %mul3A_350 = arith.mulf %mul3A_349, %get3A_348 : vector<16xf32>
        %add3A_351 = arith.addf %add3A_340, %mul3A_350 : vector<16xf32>
        %slice3A_352 = vector.extract_strided_slice %get3A_188 {offsets = [15], sizes = [1], strides = [1]} : vector<16xf32> to vector<1xf32>
        %squeeze3A_353 = vector.extract %slice3A_352[0] : f32 from vector<1xf32>
        %add3A_354 = arith.constant 15 : i32
        %add3A_355 = arith.addi %mul3A_187, %add3A_354 : i32
        %mul3A_356 = arith.constant 16 : i32
        %mul3A_357 = arith.muli %add3A_355, %mul3A_356 : i32
        %get3A_358 = arith.index_cast %mul3A_357 : i32 to index
        %get3A_359 = tpu.vector_load %arg6[%get3A_358] {strides = array<i32>} : memref<32768xf32, #tpu.memory_space<vmem>>, vector<16xf32>,
        %mul3A_360 = vector.broadcast %squeeze3A_353 : f32 to vector<16xf32>
        %mul3A_361 = arith.mulf %mul3A_360, %get3A_359 : vector<16xf32>
        %add3A_362 = arith.addf %add3A_351, %mul3A_361 : vector<16xf32>
        scf.yield %add3A_362 : vector<16xf32>
      }
      %scan3A_11 = arith.constant 128 : i32
      %reduce_max3A = arith.constant true
      %reduce_max3A_12 = vector.broadcast %reduce_max3A : i1 to vector<16xi1>
      %reduce_max3A_13 = tpu.scan <max>, %scan3A_10 masked %reduce_max3A_12 : vector<16xf32>, vector<16xi1> -> vector<16xf32>
      %reduce_max3A_14 = vector.extract %reduce_max3A_13[15] : f32 from vector<16xf32>
      %sub3A = vector.broadcast %reduce_max3A_14 : f32 to vector<16xf32>
      %sub3A_15 = arith.subf %scan3A_10, %sub3A : vector<16xf32>
      %exp3A = math.exp %sub3A_15 : vector<16xf32>
      %reduce_sum3A = arith.constant true
      %reduce_sum3A_16 = vector.broadcast %reduce_sum3A : i1 to vector<16xi1>
      %reduce_sum3A_17 = tpu.scan <sum>, %exp3A masked %reduce_sum3A_16 : vector<16xf32>, vector<16xi1> -> vector<16xf32>
      %reduce_sum3A_18 = vector.extract %reduce_sum3A_17[15] : f32 from vector<16xf32>
      %broadcast_in_dim3A_19 = vector.broadcast %reduce_sum3A_18 : f32 to vector<16xf32>
      %div3A = arith.divf %exp3A, %broadcast_in_dim3A_19 : vector<16xf32>
      %reduce_max3A_20 = arith.constant true
      %reduce_max3A_21 = vector.broadcast %reduce_max3A_20 : i1 to vector<16xi1>
      %reduce_max3A_22 = tpu.scan <max>, %div3A masked %reduce_max3A_21 : vector<16xf32>, vector<16xi1> -> vector<16xf32>
      %reduce_max3A_23 = vector.extract %reduce_max3A_22[15] : f32 from vector<16xf32>
      %eq3A_24 = vector.broadcast %reduce_max3A_23 : f32 to vector<16xf32>
      %eq3A_25 = arith.cmpf oeq, %div3A, %eq3A_24 : vector<16xf32>
      %jit3A = arith.constant 16 : i32
      %broadcast_in_dim3A_26 = vector.broadcast %jit3A : i32 to vector<16xi32>
      %select_n3A = arith.select %eq3A_25, %iota3A, %broadcast_in_dim3A_26 : vector<16xi1>, vector<16xi32>
      %reduce_min3A = arith.constant true
      %reduce_min3A_27 = vector.broadcast %reduce_min3A : i1 to vector<16xi1>
      %reduce_min3A_28 = arith.constant -2147483648 : i32
      %reduce_min3A_29 = vector.broadcast %reduce_min3A_28 : i32 to vector<16xi32>
      %reduce_min3A_30 = arith.xori %select_n3A, %reduce_min3A_29 : vector<16xi32>
      %reduce_min3A_31 = tpu.scan <min>, %reduce_min3A_30 masked %reduce_min3A_27 : vector<16xi32>, vector<16xi1> -> vector<16xi32>
      %reduce_min3A_32 = arith.xori %reduce_min3A_31, %reduce_min3A_29 : vector<16xi32>
      %reduce_min3A_33 = vector.extract %reduce_min3A_32[15] : i32 from vector<16xi32>
      %eq3A_34 = vector.broadcast %reduce_min3A_33 : i32 to vector<16xi32>
      %eq3A_35 = arith.cmpi eq, %iota3A, %eq3A_34 : vector<16xi32>
      %jit3A_36 = arith.constant -1.000000e+00 : f32
      %broadcast_in_dim3A_37 = vector.broadcast %jit3A_36 : f32 to vector<16xf32>
      %select_n3A_38 = arith.select %eq3A_35, %broadcast_in_dim3A_37, %div3A : vector<16xi1>, vector<16xf32>
      %reduce_max3A_39 = arith.constant true
      %reduce_max3A_40 = vector.broadcast %reduce_max3A_39 : i1 to vector<16xi1>
      %reduce_max3A_41 = tpu.scan <max>, %select_n3A_38 masked %reduce_max3A_40 : vector<16xf32>, vector<16xi1> -> vector<16xf32>
      %reduce_max3A_42 = vector.extract %reduce_max3A_41[15] : f32 from vector<16xf32>
      %eq3A_43 = vector.broadcast %reduce_max3A_42 : f32 to vector<16xf32>
      %eq3A_44 = arith.cmpf oeq, %select_n3A_38, %eq3A_43 : vector<16xf32>
      %jit3A_45 = arith.constant 16 : i32
      %broadcast_in_dim3A_46 = vector.broadcast %jit3A_45 : i32 to vector<16xi32>
      %select_n3A_47 = arith.select %eq3A_44, %iota3A, %broadcast_in_dim3A_46 : vector<16xi1>, vector<16xi32>
      %reduce_min3A_48 = arith.constant true
      %reduce_min3A_49 = vector.broadcast %reduce_min3A_48 : i1 to vector<16xi1>
      %reduce_min3A_50 = arith.constant -2147483648 : i32
      %reduce_min3A_51 = vector.broadcast %reduce_min3A_50 : i32 to vector<16xi32>
      %reduce_min3A_52 = arith.xori %select_n3A_47, %reduce_min3A_51 : vector<16xi32>
      %reduce_min3A_53 = tpu.scan <min>, %reduce_min3A_52 masked %reduce_min3A_49 : vector<16xi32>, vector<16xi1> -> vector<16xi32>
      %reduce_min3A_54 = arith.xori %reduce_min3A_53, %reduce_min3A_51 : vector<16xi32>
      %reduce_min3A_55 = vector.extract %reduce_min3A_54[15] : i32 from vector<16xi32>
      %sub3A_56 = arith.subf %reduce_max3A_42, %reduce_max3A_23 : f32
      %broadcast_in_dim3A_57 = vector.broadcast %sub3A_56 : f32 to vector<16xf32>
      %exp3A_58 = math.exp %broadcast_in_dim3A_57 : vector<16xf32>
      %add3A_59 = arith.constant 1.000000e+00 : f32
      %add3A_60 = vector.broadcast %add3A_59 : f32 to vector<16xf32>
      %add3A_61 = arith.addf %add3A_60, %exp3A_58 : vector<16xf32>
      %div3A_62 = arith.constant 1.000000e+00 : f32
      %div3A_63 = vector.broadcast %div3A_62 : f32 to vector<16xf32>
      %div3A_64 = arith.divf %div3A_63, %add3A_61 : vector<16xf32>
      %eq3A_65 = vector.broadcast %reduce_min3A_33 : i32 to vector<16xi32>
      %eq3A_66 = arith.cmpi eq, %iota3A, %eq3A_65 : vector<16xi32>
      %eq3A_67 = vector.broadcast %reduce_min3A_55 : i32 to vector<16xi32>
      %eq3A_68 = arith.cmpi eq, %iota3A, %eq3A_67 : vector<16xi32>
      %jit3A_69 = arith.constant 0.000000e+00 : f32
      %broadcast_in_dim3A_70 = vector.broadcast %jit3A_69 : f32 to vector<16xf32>
      %select_n3A_71 = arith.select %eq3A_66, %div3A_64, %broadcast_in_dim3A_70 : vector<16xi1>, vector<16xf32>
      %mul3A_72 = arith.mulf %exp3A_58, %div3A_64 : vector<16xf32>
      %jit3A_73 = arith.constant 0.000000e+00 : f32
      %broadcast_in_dim3A_74 = vector.broadcast %jit3A_73 : f32 to vector<16xf32>
      %select_n3A_75 = arith.select %eq3A_68, %mul3A_72, %broadcast_in_dim3A_74 : vector<16xi1>, vector<16xf32>
      %add3A_76 = arith.addf %select_n3A_71, %select_n3A_75 : vector<16xf32>
      %swap3A = arith.constant 0 : index
      %swap3A_77 = tpu.vector_load %arg8[%swap3A] {strides = array<i32>} : memref<16xf32, #tpu.memory_space<vmem>>, vector<16xf32>,
      tpu.vector_store %arg8[%swap3A], %add3A_76 {strides = array<i32>} : memref<16xf32, #tpu.memory_space<vmem>>, vector<16xf32>,
      %or3A = arith.ori %eq3A_66, %eq3A_68 : vector<16xi1>
      "tpu.region"() ({
        %run_scoped3A = tpu.sem_alloc : memref<!tpu.dma_semaphore, #tpu.memory_space<semaphore_mem>>
        %dma_start3A = arith.constant 0 : i32
        %dma_start3A_184 = tpu.memref_slice %arg4[%add3A_4, %dma_start3A] : memref<32x16xf32, #tpu.memory_space<hbm>> -> memref<1x16xf32, #tpu.memory_space<hbm>>
        %dma_start3A_185 = tpu.memref_squeeze %dma_start3A_184 : memref<1x16xf32, #tpu.memory_space<hbm>> -> memref<16xf32, #tpu.memory_space<hbm>>
        %dma_start3A_186 = arith.constant 0 : i32
        %dma_start3A_187 = tpu.memref_slice %arg4[%add3A_4, %dma_start3A_186] : memref<32x16xf32, #tpu.memory_space<hbm>> -> memref<1x16xf32, #tpu.memory_space<hbm>>
        %dma_start3A_188 = tpu.memref_squeeze %dma_start3A_187 : memref<1x16xf32, #tpu.memory_space<hbm>> -> memref<16xf32, #tpu.memory_space<hbm>>
        tpu.enqueue_dma source(%arg8 : memref<16xf32, #tpu.memory_space<vmem>>) target(%dma_start3A_188 : memref<16xf32, #tpu.memory_space<hbm>>) target_semaphore(%run_scoped3A : memref<!tpu.dma_semaphore, #tpu.memory_space<semaphore_mem>>)
        %dma_wait3A = arith.constant 0 : i32
        %dma_wait3A_189 = tpu.memref_slice %arg4[%add3A_4, %dma_wait3A] : memref<32x16xf32, #tpu.memory_space<hbm>> -> memref<1x16xf32, #tpu.memory_space<hbm>>
        %dma_wait3A_190 = tpu.memref_squeeze %dma_wait3A_189 : memref<1x16xf32, #tpu.memory_space<hbm>> -> memref<16xf32, #tpu.memory_space<hbm>>
        %dma_wait3A_191 = arith.constant 0 : i32
        %dma_wait3A_192 = tpu.memref_slice %arg4[%add3A_4, %dma_wait3A_191] : memref<32x16xf32, #tpu.memory_space<hbm>> -> memref<1x16xf32, #tpu.memory_space<hbm>>
        %dma_wait3A_193 = tpu.memref_squeeze %dma_wait3A_192 : memref<1x16xf32, #tpu.memory_space<hbm>> -> memref<16xf32, #tpu.memory_space<hbm>>
        tpu.wait_dma2 semaphore(%run_scoped3A : memref<!tpu.dma_semaphore, #tpu.memory_space<semaphore_mem>>) src(%arg8 : memref<16xf32, #tpu.memory_space<vmem>>) dst(%dma_wait3A_193 : memref<16xf32, #tpu.memory_space<hbm>>)
        tpu.yield
      }) : () -> ()
      %jit3A_78 = arith.constant 1.000000e+00 : f32
      %jit3A_79 = arith.constant 0.000000e+00 : f32
      %broadcast_in_dim3A_80 = vector.broadcast %jit3A_78 : f32 to vector<16xf32>
      %broadcast_in_dim3A_81 = vector.broadcast %jit3A_79 : f32 to vector<16xf32>
      %select_n3A_82 = arith.select %or3A, %broadcast_in_dim3A_80, %broadcast_in_dim3A_81 : vector<16xi1>, vector<16xf32>
      %max3A = arith.maximumf %broadcast_in_dim3A_2, %select_n3A_82 : vector<16xf32>
      %mul3A_83 = arith.constant 2 : i32
      %mul3A_84 = arith.muli %arg1, %mul3A_83 : i32
      %add3A_85 = arith.constant 1 : i32
      %add3A_86 = arith.addi %mul3A_84, %add3A_85 : i32
      "tpu.region"() ({
        %run_scoped3A = tpu.sem_alloc : memref<!tpu.dma_semaphore, #tpu.memory_space<semaphore_mem>>
        %dma_start3A = arith.constant 0 : i32
        %dma_start3A_184 = tpu.memref_slice %arg2[%add3A_86, %dma_start3A] : memref<32x2048xf32, #tpu.memory_space<hbm>> -> memref<1x2048xf32, #tpu.memory_space<hbm>>
        %dma_start3A_185 = tpu.memref_squeeze %dma_start3A_184 : memref<1x2048xf32, #tpu.memory_space<hbm>> -> memref<2048xf32, #tpu.memory_space<hbm>>
        %dma_start3A_186 = arith.constant 0 : i32
        %dma_start3A_187 = tpu.memref_slice %arg2[%add3A_86, %dma_start3A_186] : memref<32x2048xf32, #tpu.memory_space<hbm>> -> memref<1x2048xf32, #tpu.memory_space<hbm>>
        %dma_start3A_188 = tpu.memref_squeeze %dma_start3A_187 : memref<1x2048xf32, #tpu.memory_space<hbm>> -> memref<2048xf32, #tpu.memory_space<hbm>>
        tpu.enqueue_dma source(%dma_start3A_188 : memref<2048xf32, #tpu.memory_space<hbm>>) target(%arg7 : memref<2048xf32, #tpu.memory_space<vmem>>) target_semaphore(%run_scoped3A : memref<!tpu.dma_semaphore, #tpu.memory_space<semaphore_mem>>)
        %dma_wait3A = arith.constant 0 : i32
        %dma_wait3A_189 = tpu.memref_slice %arg2[%add3A_86, %dma_wait3A] : memref<32x2048xf32, #tpu.memory_space<hbm>> -> memref<1x2048xf32, #tpu.memory_space<hbm>>
        %dma_wait3A_190 = tpu.memref_squeeze %dma_wait3A_189 : memref<1x2048xf32, #tpu.memory_space<hbm>> -> memref<2048xf32, #tpu.memory_space<hbm>>
        %dma_wait3A_191 = arith.constant 0 : i32
        %dma_wait3A_192 = tpu.memref_slice %arg2[%add3A_86, %dma_wait3A_191] : memref<32x2048xf32, #tpu.memory_space<hbm>> -> memref<1x2048xf32, #tpu.memory_space<hbm>>
        %dma_wait3A_193 = tpu.memref_squeeze %dma_wait3A_192 : memref<1x2048xf32, #tpu.memory_space<hbm>> -> memref<2048xf32, #tpu.memory_space<hbm>>
        tpu.wait_dma2 semaphore(%run_scoped3A : memref<!tpu.dma_semaphore, #tpu.memory_space<semaphore_mem>>) src(%dma_wait3A_193 : memref<2048xf32, #tpu.memory_space<hbm>>) dst(%arg7 : memref<2048xf32, #tpu.memory_space<vmem>>)
        tpu.yield
      }) : () -> ()
      %broadcast_in_dim3A_87 = arith.constant 0.000000e+00 : f32
      %broadcast_in_dim3A_88 = vector.broadcast %broadcast_in_dim3A_87 : f32 to vector<16xf32>
      %scan3A_89 = arith.constant 0 : i32
      %scan3A_90 = arith.constant 128 : i32
      %scan3A_91 = arith.addi %scan3A_89, %scan3A_90 : i32
      %scan3A_92 = arith.constant 1 : i32
      %scan3A_93 = scf.for %scan3A_184 = %scan3A_89 to %scan3A_91 step %scan3A_92 iter_args(%scan3A_185 = %broadcast_in_dim3A_88) -> (vector<16xf32>)  : i32 {
        %mul3A_186 = arith.constant 16 : i32
        %mul3A_187 = arith.muli %scan3A_184, %mul3A_186 : i32
        %get3A = arith.index_cast %mul3A_187 : i32 to index
        %get3A_188 = tpu.vector_load %arg7[%get3A] {strides = array<i32>} : memref<2048xf32, #tpu.memory_space<vmem>>, vector<16xf32>,
        %slice3A = vector.extract_strided_slice %get3A_188 {offsets = [0], sizes = [1], strides = [1]} : vector<16xf32> to vector<1xf32>
        %squeeze3A = vector.extract %slice3A[0] : f32 from vector<1xf32>
        %add3A_189 = arith.constant 0 : i32
        %add3A_190 = arith.addi %mul3A_187, %add3A_189 : i32
        %mul3A_191 = arith.constant 16 : i32
        %mul3A_192 = arith.muli %add3A_190, %mul3A_191 : i32
        %get3A_193 = arith.index_cast %mul3A_192 : i32 to index
        %get3A_194 = tpu.vector_load %arg6[%get3A_193] {strides = array<i32>} : memref<32768xf32, #tpu.memory_space<vmem>>, vector<16xf32>,
        %mul3A_195 = vector.broadcast %squeeze3A : f32 to vector<16xf32>
        %mul3A_196 = arith.mulf %mul3A_195, %get3A_194 : vector<16xf32>
        %add3A_197 = arith.addf %scan3A_185, %mul3A_196 : vector<16xf32>
        %slice3A_198 = vector.extract_strided_slice %get3A_188 {offsets = [1], sizes = [1], strides = [1]} : vector<16xf32> to vector<1xf32>
        %squeeze3A_199 = vector.extract %slice3A_198[0] : f32 from vector<1xf32>
        %add3A_200 = arith.constant 1 : i32
        %add3A_201 = arith.addi %mul3A_187, %add3A_200 : i32
        %mul3A_202 = arith.constant 16 : i32
        %mul3A_203 = arith.muli %add3A_201, %mul3A_202 : i32
        %get3A_204 = arith.index_cast %mul3A_203 : i32 to index
        %get3A_205 = tpu.vector_load %arg6[%get3A_204] {strides = array<i32>} : memref<32768xf32, #tpu.memory_space<vmem>>, vector<16xf32>,
        %mul3A_206 = vector.broadcast %squeeze3A_199 : f32 to vector<16xf32>
        %mul3A_207 = arith.mulf %mul3A_206, %get3A_205 : vector<16xf32>
        %add3A_208 = arith.addf %add3A_197, %mul3A_207 : vector<16xf32>
        %slice3A_209 = vector.extract_strided_slice %get3A_188 {offsets = [2], sizes = [1], strides = [1]} : vector<16xf32> to vector<1xf32>
        %squeeze3A_210 = vector.extract %slice3A_209[0] : f32 from vector<1xf32>
        %add3A_211 = arith.constant 2 : i32
        %add3A_212 = arith.addi %mul3A_187, %add3A_211 : i32
        %mul3A_213 = arith.constant 16 : i32
        %mul3A_214 = arith.muli %add3A_212, %mul3A_213 : i32
        %get3A_215 = arith.index_cast %mul3A_214 : i32 to index
        %get3A_216 = tpu.vector_load %arg6[%get3A_215] {strides = array<i32>} : memref<32768xf32, #tpu.memory_space<vmem>>, vector<16xf32>,
        %mul3A_217 = vector.broadcast %squeeze3A_210 : f32 to vector<16xf32>
        %mul3A_218 = arith.mulf %mul3A_217, %get3A_216 : vector<16xf32>
        %add3A_219 = arith.addf %add3A_208, %mul3A_218 : vector<16xf32>
        %slice3A_220 = vector.extract_strided_slice %get3A_188 {offsets = [3], sizes = [1], strides = [1]} : vector<16xf32> to vector<1xf32>
        %squeeze3A_221 = vector.extract %slice3A_220[0] : f32 from vector<1xf32>
        %add3A_222 = arith.constant 3 : i32
        %add3A_223 = arith.addi %mul3A_187, %add3A_222 : i32
        %mul3A_224 = arith.constant 16 : i32
        %mul3A_225 = arith.muli %add3A_223, %mul3A_224 : i32
        %get3A_226 = arith.index_cast %mul3A_225 : i32 to index
        %get3A_227 = tpu.vector_load %arg6[%get3A_226] {strides = array<i32>} : memref<32768xf32, #tpu.memory_space<vmem>>, vector<16xf32>,
        %mul3A_228 = vector.broadcast %squeeze3A_221 : f32 to vector<16xf32>
        %mul3A_229 = arith.mulf %mul3A_228, %get3A_227 : vector<16xf32>
        %add3A_230 = arith.addf %add3A_219, %mul3A_229 : vector<16xf32>
        %slice3A_231 = vector.extract_strided_slice %get3A_188 {offsets = [4], sizes = [1], strides = [1]} : vector<16xf32> to vector<1xf32>
        %squeeze3A_232 = vector.extract %slice3A_231[0] : f32 from vector<1xf32>
        %add3A_233 = arith.constant 4 : i32
        %add3A_234 = arith.addi %mul3A_187, %add3A_233 : i32
        %mul3A_235 = arith.constant 16 : i32
        %mul3A_236 = arith.muli %add3A_234, %mul3A_235 : i32
        %get3A_237 = arith.index_cast %mul3A_236 : i32 to index
        %get3A_238 = tpu.vector_load %arg6[%get3A_237] {strides = array<i32>} : memref<32768xf32, #tpu.memory_space<vmem>>, vector<16xf32>,
        %mul3A_239 = vector.broadcast %squeeze3A_232 : f32 to vector<16xf32>
        %mul3A_240 = arith.mulf %mul3A_239, %get3A_238 : vector<16xf32>
        %add3A_241 = arith.addf %add3A_230, %mul3A_240 : vector<16xf32>
        %slice3A_242 = vector.extract_strided_slice %get3A_188 {offsets = [5], sizes = [1], strides = [1]} : vector<16xf32> to vector<1xf32>
        %squeeze3A_243 = vector.extract %slice3A_242[0] : f32 from vector<1xf32>
        %add3A_244 = arith.constant 5 : i32
        %add3A_245 = arith.addi %mul3A_187, %add3A_244 : i32
        %mul3A_246 = arith.constant 16 : i32
        %mul3A_247 = arith.muli %add3A_245, %mul3A_246 : i32
        %get3A_248 = arith.index_cast %mul3A_247 : i32 to index
        %get3A_249 = tpu.vector_load %arg6[%get3A_248] {strides = array<i32>} : memref<32768xf32, #tpu.memory_space<vmem>>, vector<16xf32>,
        %mul3A_250 = vector.broadcast %squeeze3A_243 : f32 to vector<16xf32>
        %mul3A_251 = arith.mulf %mul3A_250, %get3A_249 : vector<16xf32>
        %add3A_252 = arith.addf %add3A_241, %mul3A_251 : vector<16xf32>
        %slice3A_253 = vector.extract_strided_slice %get3A_188 {offsets = [6], sizes = [1], strides = [1]} : vector<16xf32> to vector<1xf32>
        %squeeze3A_254 = vector.extract %slice3A_253[0] : f32 from vector<1xf32>
        %add3A_255 = arith.constant 6 : i32
        %add3A_256 = arith.addi %mul3A_187, %add3A_255 : i32
        %mul3A_257 = arith.constant 16 : i32
        %mul3A_258 = arith.muli %add3A_256, %mul3A_257 : i32
        %get3A_259 = arith.index_cast %mul3A_258 : i32 to index
        %get3A_260 = tpu.vector_load %arg6[%get3A_259] {strides = array<i32>} : memref<32768xf32, #tpu.memory_space<vmem>>, vector<16xf32>,
        %mul3A_261 = vector.broadcast %squeeze3A_254 : f32 to vector<16xf32>
        %mul3A_262 = arith.mulf %mul3A_261, %get3A_260 : vector<16xf32>
        %add3A_263 = arith.addf %add3A_252, %mul3A_262 : vector<16xf32>
        %slice3A_264 = vector.extract_strided_slice %get3A_188 {offsets = [7], sizes = [1], strides = [1]} : vector<16xf32> to vector<1xf32>
        %squeeze3A_265 = vector.extract %slice3A_264[0] : f32 from vector<1xf32>
        %add3A_266 = arith.constant 7 : i32
        %add3A_267 = arith.addi %mul3A_187, %add3A_266 : i32
        %mul3A_268 = arith.constant 16 : i32
        %mul3A_269 = arith.muli %add3A_267, %mul3A_268 : i32
        %get3A_270 = arith.index_cast %mul3A_269 : i32 to index
        %get3A_271 = tpu.vector_load %arg6[%get3A_270] {strides = array<i32>} : memref<32768xf32, #tpu.memory_space<vmem>>, vector<16xf32>,
        %mul3A_272 = vector.broadcast %squeeze3A_265 : f32 to vector<16xf32>
        %mul3A_273 = arith.mulf %mul3A_272, %get3A_271 : vector<16xf32>
        %add3A_274 = arith.addf %add3A_263, %mul3A_273 : vector<16xf32>
        %slice3A_275 = vector.extract_strided_slice %get3A_188 {offsets = [8], sizes = [1], strides = [1]} : vector<16xf32> to vector<1xf32>
        %squeeze3A_276 = vector.extract %slice3A_275[0] : f32 from vector<1xf32>
        %add3A_277 = arith.constant 8 : i32
        %add3A_278 = arith.addi %mul3A_187, %add3A_277 : i32
        %mul3A_279 = arith.constant 16 : i32
        %mul3A_280 = arith.muli %add3A_278, %mul3A_279 : i32
        %get3A_281 = arith.index_cast %mul3A_280 : i32 to index
        %get3A_282 = tpu.vector_load %arg6[%get3A_281] {strides = array<i32>} : memref<32768xf32, #tpu.memory_space<vmem>>, vector<16xf32>,
        %mul3A_283 = vector.broadcast %squeeze3A_276 : f32 to vector<16xf32>
        %mul3A_284 = arith.mulf %mul3A_283, %get3A_282 : vector<16xf32>
        %add3A_285 = arith.addf %add3A_274, %mul3A_284 : vector<16xf32>
        %slice3A_286 = vector.extract_strided_slice %get3A_188 {offsets = [9], sizes = [1], strides = [1]} : vector<16xf32> to vector<1xf32>
        %squeeze3A_287 = vector.extract %slice3A_286[0] : f32 from vector<1xf32>
        %add3A_288 = arith.constant 9 : i32
        %add3A_289 = arith.addi %mul3A_187, %add3A_288 : i32
        %mul3A_290 = arith.constant 16 : i32
        %mul3A_291 = arith.muli %add3A_289, %mul3A_290 : i32
        %get3A_292 = arith.index_cast %mul3A_291 : i32 to index
        %get3A_293 = tpu.vector_load %arg6[%get3A_292] {strides = array<i32>} : memref<32768xf32, #tpu.memory_space<vmem>>, vector<16xf32>,
        %mul3A_294 = vector.broadcast %squeeze3A_287 : f32 to vector<16xf32>
        %mul3A_295 = arith.mulf %mul3A_294, %get3A_293 : vector<16xf32>
        %add3A_296 = arith.addf %add3A_285, %mul3A_295 : vector<16xf32>
        %slice3A_297 = vector.extract_strided_slice %get3A_188 {offsets = [10], sizes = [1], strides = [1]} : vector<16xf32> to vector<1xf32>
        %squeeze3A_298 = vector.extract %slice3A_297[0] : f32 from vector<1xf32>
        %add3A_299 = arith.constant 10 : i32
        %add3A_300 = arith.addi %mul3A_187, %add3A_299 : i32
        %mul3A_301 = arith.constant 16 : i32
        %mul3A_302 = arith.muli %add3A_300, %mul3A_301 : i32
        %get3A_303 = arith.index_cast %mul3A_302 : i32 to index
        %get3A_304 = tpu.vector_load %arg6[%get3A_303] {strides = array<i32>} : memref<32768xf32, #tpu.memory_space<vmem>>, vector<16xf32>,
        %mul3A_305 = vector.broadcast %squeeze3A_298 : f32 to vector<16xf32>
        %mul3A_306 = arith.mulf %mul3A_305, %get3A_304 : vector<16xf32>
        %add3A_307 = arith.addf %add3A_296, %mul3A_306 : vector<16xf32>
        %slice3A_308 = vector.extract_strided_slice %get3A_188 {offsets = [11], sizes = [1], strides = [1]} : vector<16xf32> to vector<1xf32>
        %squeeze3A_309 = vector.extract %slice3A_308[0] : f32 from vector<1xf32>
        %add3A_310 = arith.constant 11 : i32
        %add3A_311 = arith.addi %mul3A_187, %add3A_310 : i32
        %mul3A_312 = arith.constant 16 : i32
        %mul3A_313 = arith.muli %add3A_311, %mul3A_312 : i32
        %get3A_314 = arith.index_cast %mul3A_313 : i32 to index
        %get3A_315 = tpu.vector_load %arg6[%get3A_314] {strides = array<i32>} : memref<32768xf32, #tpu.memory_space<vmem>>, vector<16xf32>,
        %mul3A_316 = vector.broadcast %squeeze3A_309 : f32 to vector<16xf32>
        %mul3A_317 = arith.mulf %mul3A_316, %get3A_315 : vector<16xf32>
        %add3A_318 = arith.addf %add3A_307, %mul3A_317 : vector<16xf32>
        %slice3A_319 = vector.extract_strided_slice %get3A_188 {offsets = [12], sizes = [1], strides = [1]} : vector<16xf32> to vector<1xf32>
        %squeeze3A_320 = vector.extract %slice3A_319[0] : f32 from vector<1xf32>
        %add3A_321 = arith.constant 12 : i32
        %add3A_322 = arith.addi %mul3A_187, %add3A_321 : i32
        %mul3A_323 = arith.constant 16 : i32
        %mul3A_324 = arith.muli %add3A_322, %mul3A_323 : i32
        %get3A_325 = arith.index_cast %mul3A_324 : i32 to index
        %get3A_326 = tpu.vector_load %arg6[%get3A_325] {strides = array<i32>} : memref<32768xf32, #tpu.memory_space<vmem>>, vector<16xf32>,
        %mul3A_327 = vector.broadcast %squeeze3A_320 : f32 to vector<16xf32>
        %mul3A_328 = arith.mulf %mul3A_327, %get3A_326 : vector<16xf32>
        %add3A_329 = arith.addf %add3A_318, %mul3A_328 : vector<16xf32>
        %slice3A_330 = vector.extract_strided_slice %get3A_188 {offsets = [13], sizes = [1], strides = [1]} : vector<16xf32> to vector<1xf32>
        %squeeze3A_331 = vector.extract %slice3A_330[0] : f32 from vector<1xf32>
        %add3A_332 = arith.constant 13 : i32
        %add3A_333 = arith.addi %mul3A_187, %add3A_332 : i32
        %mul3A_334 = arith.constant 16 : i32
        %mul3A_335 = arith.muli %add3A_333, %mul3A_334 : i32
        %get3A_336 = arith.index_cast %mul3A_335 : i32 to index
        %get3A_337 = tpu.vector_load %arg6[%get3A_336] {strides = array<i32>} : memref<32768xf32, #tpu.memory_space<vmem>>, vector<16xf32>,
        %mul3A_338 = vector.broadcast %squeeze3A_331 : f32 to vector<16xf32>
        %mul3A_339 = arith.mulf %mul3A_338, %get3A_337 : vector<16xf32>
        %add3A_340 = arith.addf %add3A_329, %mul3A_339 : vector<16xf32>
        %slice3A_341 = vector.extract_strided_slice %get3A_188 {offsets = [14], sizes = [1], strides = [1]} : vector<16xf32> to vector<1xf32>
        %squeeze3A_342 = vector.extract %slice3A_341[0] : f32 from vector<1xf32>
        %add3A_343 = arith.constant 14 : i32
        %add3A_344 = arith.addi %mul3A_187, %add3A_343 : i32
        %mul3A_345 = arith.constant 16 : i32
        %mul3A_346 = arith.muli %add3A_344, %mul3A_345 : i32
        %get3A_347 = arith.index_cast %mul3A_346 : i32 to index
        %get3A_348 = tpu.vector_load %arg6[%get3A_347] {strides = array<i32>} : memref<32768xf32, #tpu.memory_space<vmem>>, vector<16xf32>,
        %mul3A_349 = vector.broadcast %squeeze3A_342 : f32 to vector<16xf32>
        %mul3A_350 = arith.mulf %mul3A_349, %get3A_348 : vector<16xf32>
        %add3A_351 = arith.addf %add3A_340, %mul3A_350 : vector<16xf32>
        %slice3A_352 = vector.extract_strided_slice %get3A_188 {offsets = [15], sizes = [1], strides = [1]} : vector<16xf32> to vector<1xf32>
        %squeeze3A_353 = vector.extract %slice3A_352[0] : f32 from vector<1xf32>
        %add3A_354 = arith.constant 15 : i32
        %add3A_355 = arith.addi %mul3A_187, %add3A_354 : i32
        %mul3A_356 = arith.constant 16 : i32
        %mul3A_357 = arith.muli %add3A_355, %mul3A_356 : i32
        %get3A_358 = arith.index_cast %mul3A_357 : i32 to index
        %get3A_359 = tpu.vector_load %arg6[%get3A_358] {strides = array<i32>} : memref<32768xf32, #tpu.memory_space<vmem>>, vector<16xf32>,
        %mul3A_360 = vector.broadcast %squeeze3A_353 : f32 to vector<16xf32>
        %mul3A_361 = arith.mulf %mul3A_360, %get3A_359 : vector<16xf32>
        %add3A_362 = arith.addf %add3A_351, %mul3A_361 : vector<16xf32>
        scf.yield %add3A_362 : vector<16xf32>
      }
      %scan3A_94 = arith.constant 128 : i32
      %reduce_max3A_95 = arith.constant true
      %reduce_max3A_96 = vector.broadcast %reduce_max3A_95 : i1 to vector<16xi1>
      %reduce_max3A_97 = tpu.scan <max>, %scan3A_93 masked %reduce_max3A_96 : vector<16xf32>, vector<16xi1> -> vector<16xf32>
      %reduce_max3A_98 = vector.extract %reduce_max3A_97[15] : f32 from vector<16xf32>
      %sub3A_99 = vector.broadcast %reduce_max3A_98 : f32 to vector<16xf32>
      %sub3A_100 = arith.subf %scan3A_93, %sub3A_99 : vector<16xf32>
      %exp3A_101 = math.exp %sub3A_100 : vector<16xf32>
      %reduce_sum3A_102 = arith.constant true
      %reduce_sum3A_103 = vector.broadcast %reduce_sum3A_102 : i1 to vector<16xi1>
      %reduce_sum3A_104 = tpu.scan <sum>, %exp3A_101 masked %reduce_sum3A_103 : vector<16xf32>, vector<16xi1> -> vector<16xf32>
      %reduce_sum3A_105 = vector.extract %reduce_sum3A_104[15] : f32 from vector<16xf32>
      %broadcast_in_dim3A_106 = vector.broadcast %reduce_sum3A_105 : f32 to vector<16xf32>
      %div3A_107 = arith.divf %exp3A_101, %broadcast_in_dim3A_106 : vector<16xf32>
      %reduce_max3A_108 = arith.constant true
      %reduce_max3A_109 = vector.broadcast %reduce_max3A_108 : i1 to vector<16xi1>
      %reduce_max3A_110 = tpu.scan <max>, %div3A_107 masked %reduce_max3A_109 : vector<16xf32>, vector<16xi1> -> vector<16xf32>
      %reduce_max3A_111 = vector.extract %reduce_max3A_110[15] : f32 from vector<16xf32>
      %eq3A_112 = vector.broadcast %reduce_max3A_111 : f32 to vector<16xf32>
      %eq3A_113 = arith.cmpf oeq, %div3A_107, %eq3A_112 : vector<16xf32>
      %jit3A_114 = arith.constant 16 : i32
      %broadcast_in_dim3A_115 = vector.broadcast %jit3A_114 : i32 to vector<16xi32>
      %select_n3A_116 = arith.select %eq3A_113, %iota3A, %broadcast_in_dim3A_115 : vector<16xi1>, vector<16xi32>
      %reduce_min3A_117 = arith.constant true
      %reduce_min3A_118 = vector.broadcast %reduce_min3A_117 : i1 to vector<16xi1>
      %reduce_min3A_119 = arith.constant -2147483648 : i32
      %reduce_min3A_120 = vector.broadcast %reduce_min3A_119 : i32 to vector<16xi32>
      %reduce_min3A_121 = arith.xori %select_n3A_116, %reduce_min3A_120 : vector<16xi32>
      %reduce_min3A_122 = tpu.scan <min>, %reduce_min3A_121 masked %reduce_min3A_118 : vector<16xi32>, vector<16xi1> -> vector<16xi32>
      %reduce_min3A_123 = arith.xori %reduce_min3A_122, %reduce_min3A_120 : vector<16xi32>
      %reduce_min3A_124 = vector.extract %reduce_min3A_123[15] : i32 from vector<16xi32>
      %eq3A_125 = vector.broadcast %reduce_min3A_124 : i32 to vector<16xi32>
      %eq3A_126 = arith.cmpi eq, %iota3A, %eq3A_125 : vector<16xi32>
      %jit3A_127 = arith.constant -1.000000e+00 : f32
      %broadcast_in_dim3A_128 = vector.broadcast %jit3A_127 : f32 to vector<16xf32>
      %select_n3A_129 = arith.select %eq3A_126, %broadcast_in_dim3A_128, %div3A_107 : vector<16xi1>, vector<16xf32>
      %reduce_max3A_130 = arith.constant true
      %reduce_max3A_131 = vector.broadcast %reduce_max3A_130 : i1 to vector<16xi1>
      %reduce_max3A_132 = tpu.scan <max>, %select_n3A_129 masked %reduce_max3A_131 : vector<16xf32>, vector<16xi1> -> vector<16xf32>
      %reduce_max3A_133 = vector.extract %reduce_max3A_132[15] : f32 from vector<16xf32>
      %eq3A_134 = vector.broadcast %reduce_max3A_133 : f32 to vector<16xf32>
      %eq3A_135 = arith.cmpf oeq, %select_n3A_129, %eq3A_134 : vector<16xf32>
      %jit3A_136 = arith.constant 16 : i32
      %broadcast_in_dim3A_137 = vector.broadcast %jit3A_136 : i32 to vector<16xi32>
      %select_n3A_138 = arith.select %eq3A_135, %iota3A, %broadcast_in_dim3A_137 : vector<16xi1>, vector<16xi32>
      %reduce_min3A_139 = arith.constant true
      %reduce_min3A_140 = vector.broadcast %reduce_min3A_139 : i1 to vector<16xi1>
      %reduce_min3A_141 = arith.constant -2147483648 : i32
      %reduce_min3A_142 = vector.broadcast %reduce_min3A_141 : i32 to vector<16xi32>
      %reduce_min3A_143 = arith.xori %select_n3A_138, %reduce_min3A_142 : vector<16xi32>
      %reduce_min3A_144 = tpu.scan <min>, %reduce_min3A_143 masked %reduce_min3A_140 : vector<16xi32>, vector<16xi1> -> vector<16xi32>
      %reduce_min3A_145 = arith.xori %reduce_min3A_144, %reduce_min3A_142 : vector<16xi32>
      %reduce_min3A_146 = vector.extract %reduce_min3A_145[15] : i32 from vector<16xi32>
      %sub3A_147 = arith.subf %reduce_max3A_133, %reduce_max3A_111 : f32
      %broadcast_in_dim3A_148 = vector.broadcast %sub3A_147 : f32 to vector<16xf32>
      %exp3A_149 = math.exp %broadcast_in_dim3A_148 : vector<16xf32>
      %add3A_150 = arith.constant 1.000000e+00 : f32
      %add3A_151 = vector.broadcast %add3A_150 : f32 to vector<16xf32>
      %add3A_152 = arith.addf %add3A_151, %exp3A_149 : vector<16xf32>
      %div3A_153 = arith.constant 1.000000e+00 : f32
      %div3A_154 = vector.broadcast %div3A_153 : f32 to vector<16xf32>
      %div3A_155 = arith.divf %div3A_154, %add3A_152 : vector<16xf32>
      %eq3A_156 = vector.broadcast %reduce_min3A_124 : i32 to vector<16xi32>
      %eq3A_157 = arith.cmpi eq, %iota3A, %eq3A_156 : vector<16xi32>
      %eq3A_158 = vector.broadcast %reduce_min3A_146 : i32 to vector<16xi32>
      %eq3A_159 = arith.cmpi eq, %iota3A, %eq3A_158 : vector<16xi32>
      %jit3A_160 = arith.constant 0.000000e+00 : f32
      %broadcast_in_dim3A_161 = vector.broadcast %jit3A_160 : f32 to vector<16xf32>
      %select_n3A_162 = arith.select %eq3A_157, %div3A_155, %broadcast_in_dim3A_161 : vector<16xi1>, vector<16xf32>
      %mul3A_163 = arith.mulf %exp3A_149, %div3A_155 : vector<16xf32>
      %jit3A_164 = arith.constant 0.000000e+00 : f32
      %broadcast_in_dim3A_165 = vector.broadcast %jit3A_164 : f32 to vector<16xf32>
      %select_n3A_166 = arith.select %eq3A_159, %mul3A_163, %broadcast_in_dim3A_165 : vector<16xi1>, vector<16xf32>
      %add3A_167 = arith.addf %select_n3A_162, %select_n3A_166 : vector<16xf32>
      %swap3A_168 = arith.constant 0 : index
      %swap3A_169 = tpu.vector_load %arg8[%swap3A_168] {strides = array<i32>} : memref<16xf32, #tpu.memory_space<vmem>>, vector<16xf32>,
      tpu.vector_store %arg8[%swap3A_168], %add3A_167 {strides = array<i32>} : memref<16xf32, #tpu.memory_space<vmem>>, vector<16xf32>,
      %or3A_170 = arith.ori %eq3A_157, %eq3A_159 : vector<16xi1>
      "tpu.region"() ({
        %run_scoped3A = tpu.sem_alloc : memref<!tpu.dma_semaphore, #tpu.memory_space<semaphore_mem>>
        %dma_start3A = arith.constant 0 : i32
        %dma_start3A_184 = tpu.memref_slice %arg4[%add3A_86, %dma_start3A] : memref<32x16xf32, #tpu.memory_space<hbm>> -> memref<1x16xf32, #tpu.memory_space<hbm>>
        %dma_start3A_185 = tpu.memref_squeeze %dma_start3A_184 : memref<1x16xf32, #tpu.memory_space<hbm>> -> memref<16xf32, #tpu.memory_space<hbm>>
        %dma_start3A_186 = arith.constant 0 : i32
        %dma_start3A_187 = tpu.memref_slice %arg4[%add3A_86, %dma_start3A_186] : memref<32x16xf32, #tpu.memory_space<hbm>> -> memref<1x16xf32, #tpu.memory_space<hbm>>
        %dma_start3A_188 = tpu.memref_squeeze %dma_start3A_187 : memref<1x16xf32, #tpu.memory_space<hbm>> -> memref<16xf32, #tpu.memory_space<hbm>>
        tpu.enqueue_dma source(%arg8 : memref<16xf32, #tpu.memory_space<vmem>>) target(%dma_start3A_188 : memref<16xf32, #tpu.memory_space<hbm>>) target_semaphore(%run_scoped3A : memref<!tpu.dma_semaphore, #tpu.memory_space<semaphore_mem>>)
        %dma_wait3A = arith.constant 0 : i32
        %dma_wait3A_189 = tpu.memref_slice %arg4[%add3A_86, %dma_wait3A] : memref<32x16xf32, #tpu.memory_space<hbm>> -> memref<1x16xf32, #tpu.memory_space<hbm>>
        %dma_wait3A_190 = tpu.memref_squeeze %dma_wait3A_189 : memref<1x16xf32, #tpu.memory_space<hbm>> -> memref<16xf32, #tpu.memory_space<hbm>>
        %dma_wait3A_191 = arith.constant 0 : i32
        %dma_wait3A_192 = tpu.memref_slice %arg4[%add3A_86, %dma_wait3A_191] : memref<32x16xf32, #tpu.memory_space<hbm>> -> memref<1x16xf32, #tpu.memory_space<hbm>>
        %dma_wait3A_193 = tpu.memref_squeeze %dma_wait3A_192 : memref<1x16xf32, #tpu.memory_space<hbm>> -> memref<16xf32, #tpu.memory_space<hbm>>
        tpu.wait_dma2 semaphore(%run_scoped3A : memref<!tpu.dma_semaphore, #tpu.memory_space<semaphore_mem>>) src(%arg8 : memref<16xf32, #tpu.memory_space<vmem>>) dst(%dma_wait3A_193 : memref<16xf32, #tpu.memory_space<hbm>>)
        tpu.yield
      }) : () -> ()
      %jit3A_171 = arith.constant 1.000000e+00 : f32
      %jit3A_172 = arith.constant 0.000000e+00 : f32
      %broadcast_in_dim3A_173 = vector.broadcast %jit3A_171 : f32 to vector<16xf32>
      %broadcast_in_dim3A_174 = vector.broadcast %jit3A_172 : f32 to vector<16xf32>
      %select_n3A_175 = arith.select %or3A_170, %broadcast_in_dim3A_173, %broadcast_in_dim3A_174 : vector<16xi1>, vector<16xf32>
      %max3A_176 = arith.maximumf %max3A, %select_n3A_175 : vector<16xf32>
      %swap3A_177 = arith.constant 0 : index
      %swap3A_178 = tpu.vector_load %arg8[%swap3A_177] {strides = array<i32>} : memref<16xf32, #tpu.memory_space<vmem>>, vector<16xf32>,
      tpu.vector_store %arg8[%swap3A_177], %max3A_176 {strides = array<i32>} : memref<16xf32, #tpu.memory_space<vmem>>, vector<16xf32>,
      "tpu.region"() ({
        %run_scoped3A = tpu.sem_alloc : memref<!tpu.dma_semaphore, #tpu.memory_space<semaphore_mem>>
        %dma_start3A = arith.constant 0 : i32
        %dma_start3A_184 = tpu.memref_slice %arg11[%arg1, %dma_start3A] : memref<16x16xf32, #tpu.memory_space<vmem_shared>> -> memref<1x16xf32, #tpu.memory_space<vmem_shared>>
        %dma_start3A_185 = tpu.memref_squeeze %dma_start3A_184 : memref<1x16xf32, #tpu.memory_space<vmem_shared>> -> memref<16xf32, #tpu.memory_space<vmem_shared>>
        %dma_start3A_186 = arith.constant 0 : i32
        %dma_start3A_187 = tpu.memref_slice %arg11[%arg1, %dma_start3A_186] : memref<16x16xf32, #tpu.memory_space<vmem_shared>> -> memref<1x16xf32, #tpu.memory_space<vmem_shared>>
        %dma_start3A_188 = tpu.memref_squeeze %dma_start3A_187 : memref<1x16xf32, #tpu.memory_space<vmem_shared>> -> memref<16xf32, #tpu.memory_space<vmem_shared>>
        tpu.enqueue_dma source(%arg8 : memref<16xf32, #tpu.memory_space<vmem>>) target(%dma_start3A_188 : memref<16xf32, #tpu.memory_space<vmem_shared>>) target_semaphore(%run_scoped3A : memref<!tpu.dma_semaphore, #tpu.memory_space<semaphore_mem>>)
        %dma_wait3A = arith.constant 0 : i32
        %dma_wait3A_189 = tpu.memref_slice %arg11[%arg1, %dma_wait3A] : memref<16x16xf32, #tpu.memory_space<vmem_shared>> -> memref<1x16xf32, #tpu.memory_space<vmem_shared>>
        %dma_wait3A_190 = tpu.memref_squeeze %dma_wait3A_189 : memref<1x16xf32, #tpu.memory_space<vmem_shared>> -> memref<16xf32, #tpu.memory_space<vmem_shared>>
        %dma_wait3A_191 = arith.constant 0 : i32
        %dma_wait3A_192 = tpu.memref_slice %arg11[%arg1, %dma_wait3A_191] : memref<16x16xf32, #tpu.memory_space<vmem_shared>> -> memref<1x16xf32, #tpu.memory_space<vmem_shared>>
        %dma_wait3A_193 = tpu.memref_squeeze %dma_wait3A_192 : memref<1x16xf32, #tpu.memory_space<vmem_shared>> -> memref<16xf32, #tpu.memory_space<vmem_shared>>
        tpu.wait_dma2 semaphore(%run_scoped3A : memref<!tpu.dma_semaphore, #tpu.memory_space<semaphore_mem>>) src(%arg8 : memref<16xf32, #tpu.memory_space<vmem>>) dst(%dma_wait3A_193 : memref<16xf32, #tpu.memory_space<vmem_shared>>)
        tpu.yield
      }) : () -> ()
      %barrier3A = arith.constant 0 : index
      tpu.barrier barrier_id(%barrier3A)
      %eq3A_179 = arith.constant 0 : i32
      %eq3A_180 = arith.cmpi eq, %arg1, %eq3A_179 : i32
      %convert_element_type3A_181 = arith.extui %eq3A_180 : i1 to i32
      %cond3A_182 = arith.constant 0 : i32
      %cond3A_183 = arith.cmpi ne, %convert_element_type3A_181, %cond3A_182 : i32
      scf.if %cond3A_183 {
        "tpu.region"() ({
          %run_scoped3A = tpu.sem_alloc : memref<!tpu.dma_semaphore, #tpu.memory_space<semaphore_mem>>
          tpu.enqueue_dma source(%arg11 : memref<16x16xf32, #tpu.memory_space<vmem_shared>>) target(%arg10 : memref<16x16xf32, #tpu.memory_space<vmem>>) target_semaphore(%run_scoped3A : memref<!tpu.dma_semaphore, #tpu.memory_space<semaphore_mem>>)
          tpu.wait_dma2 semaphore(%run_scoped3A : memref<!tpu.dma_semaphore, #tpu.memory_space<semaphore_mem>>) src(%arg11 : memref<16x16xf32, #tpu.memory_space<vmem_shared>>) dst(%arg10 : memref<16x16xf32, #tpu.memory_space<vmem>>)
          tpu.yield
        }) : () -> ()
        %get3A = arith.constant 0 : i32
        %get3A_184 = arith.index_cast %get3A : i32 to index
        %get3A_185 = arith.constant 0 : index
        %get3A_186 = tpu.vector_load %arg10[%get3A_184, %get3A_185] {strides = array<i32>} : memref<16x16xf32, #tpu.memory_space<vmem>>, vector<16xf32>,
        %get3A_187 = arith.constant 1 : i32
        %get3A_188 = arith.index_cast %get3A_187 : i32 to index
        %get3A_189 = arith.constant 0 : index
        %get3A_190 = tpu.vector_load %arg10[%get3A_188, %get3A_189] {strides = array<i32>} : memref<16x16xf32, #tpu.memory_space<vmem>>, vector<16xf32>,
        %max3A_191 = arith.maximumf %get3A_186, %get3A_190 : vector<16xf32>
        %get3A_192 = arith.constant 2 : i32
        %get3A_193 = arith.index_cast %get3A_192 : i32 to index
        %get3A_194 = arith.constant 0 : index
        %get3A_195 = tpu.vector_load %arg10[%get3A_193, %get3A_194] {strides = array<i32>} : memref<16x16xf32, #tpu.memory_space<vmem>>, vector<16xf32>,
        %max3A_196 = arith.maximumf %max3A_191, %get3A_195 : vector<16xf32>
        %get3A_197 = arith.constant 3 : i32
        %get3A_198 = arith.index_cast %get3A_197 : i32 to index
        %get3A_199 = arith.constant 0 : index
        %get3A_200 = tpu.vector_load %arg10[%get3A_198, %get3A_199] {strides = array<i32>} : memref<16x16xf32, #tpu.memory_space<vmem>>, vector<16xf32>,
        %max3A_201 = arith.maximumf %max3A_196, %get3A_200 : vector<16xf32>
        %get3A_202 = arith.constant 4 : i32
        %get3A_203 = arith.index_cast %get3A_202 : i32 to index
        %get3A_204 = arith.constant 0 : index
        %get3A_205 = tpu.vector_load %arg10[%get3A_203, %get3A_204] {strides = array<i32>} : memref<16x16xf32, #tpu.memory_space<vmem>>, vector<16xf32>,
        %max3A_206 = arith.maximumf %max3A_201, %get3A_205 : vector<16xf32>
        %get3A_207 = arith.constant 5 : i32
        %get3A_208 = arith.index_cast %get3A_207 : i32 to index
        %get3A_209 = arith.constant 0 : index
        %get3A_210 = tpu.vector_load %arg10[%get3A_208, %get3A_209] {strides = array<i32>} : memref<16x16xf32, #tpu.memory_space<vmem>>, vector<16xf32>,
        %max3A_211 = arith.maximumf %max3A_206, %get3A_210 : vector<16xf32>
        %get3A_212 = arith.constant 6 : i32
        %get3A_213 = arith.index_cast %get3A_212 : i32 to index
        %get3A_214 = arith.constant 0 : index
        %get3A_215 = tpu.vector_load %arg10[%get3A_213, %get3A_214] {strides = array<i32>} : memref<16x16xf32, #tpu.memory_space<vmem>>, vector<16xf32>,
        %max3A_216 = arith.maximumf %max3A_211, %get3A_215 : vector<16xf32>
        %get3A_217 = arith.constant 7 : i32
        %get3A_218 = arith.index_cast %get3A_217 : i32 to index
        %get3A_219 = arith.constant 0 : index
        %get3A_220 = tpu.vector_load %arg10[%get3A_218, %get3A_219] {strides = array<i32>} : memref<16x16xf32, #tpu.memory_space<vmem>>, vector<16xf32>,
        %max3A_221 = arith.maximumf %max3A_216, %get3A_220 : vector<16xf32>
        %get3A_222 = arith.constant 8 : i32
        %get3A_223 = arith.index_cast %get3A_222 : i32 to index
        %get3A_224 = arith.constant 0 : index
        %get3A_225 = tpu.vector_load %arg10[%get3A_223, %get3A_224] {strides = array<i32>} : memref<16x16xf32, #tpu.memory_space<vmem>>, vector<16xf32>,
        %max3A_226 = arith.maximumf %max3A_221, %get3A_225 : vector<16xf32>
        %get3A_227 = arith.constant 9 : i32
        %get3A_228 = arith.index_cast %get3A_227 : i32 to index
        %get3A_229 = arith.constant 0 : index
        %get3A_230 = tpu.vector_load %arg10[%get3A_228, %get3A_229] {strides = array<i32>} : memref<16x16xf32, #tpu.memory_space<vmem>>, vector<16xf32>,
        %max3A_231 = arith.maximumf %max3A_226, %get3A_230 : vector<16xf32>
        %get3A_232 = arith.constant 10 : i32
        %get3A_233 = arith.index_cast %get3A_232 : i32 to index
        %get3A_234 = arith.constant 0 : index
        %get3A_235 = tpu.vector_load %arg10[%get3A_233, %get3A_234] {strides = array<i32>} : memref<16x16xf32, #tpu.memory_space<vmem>>, vector<16xf32>,
        %max3A_236 = arith.maximumf %max3A_231, %get3A_235 : vector<16xf32>
        %get3A_237 = arith.constant 11 : i32
        %get3A_238 = arith.index_cast %get3A_237 : i32 to index
        %get3A_239 = arith.constant 0 : index
        %get3A_240 = tpu.vector_load %arg10[%get3A_238, %get3A_239] {strides = array<i32>} : memref<16x16xf32, #tpu.memory_space<vmem>>, vector<16xf32>,
        %max3A_241 = arith.maximumf %max3A_236, %get3A_240 : vector<16xf32>
        %get3A_242 = arith.constant 12 : i32
        %get3A_243 = arith.index_cast %get3A_242 : i32 to index
        %get3A_244 = arith.constant 0 : index
        %get3A_245 = tpu.vector_load %arg10[%get3A_243, %get3A_244] {strides = array<i32>} : memref<16x16xf32, #tpu.memory_space<vmem>>, vector<16xf32>,
        %max3A_246 = arith.maximumf %max3A_241, %get3A_245 : vector<16xf32>
        %get3A_247 = arith.constant 13 : i32
        %get3A_248 = arith.index_cast %get3A_247 : i32 to index
        %get3A_249 = arith.constant 0 : index
        %get3A_250 = tpu.vector_load %arg10[%get3A_248, %get3A_249] {strides = array<i32>} : memref<16x16xf32, #tpu.memory_space<vmem>>, vector<16xf32>,
        %max3A_251 = arith.maximumf %max3A_246, %get3A_250 : vector<16xf32>
        %get3A_252 = arith.constant 14 : i32
        %get3A_253 = arith.index_cast %get3A_252 : i32 to index
        %get3A_254 = arith.constant 0 : index
        %get3A_255 = tpu.vector_load %arg10[%get3A_253, %get3A_254] {strides = array<i32>} : memref<16x16xf32, #tpu.memory_space<vmem>>, vector<16xf32>,
        %max3A_256 = arith.maximumf %max3A_251, %get3A_255 : vector<16xf32>
        %get3A_257 = arith.constant 15 : i32
        %get3A_258 = arith.index_cast %get3A_257 : i32 to index
        %get3A_259 = arith.constant 0 : index
        %get3A_260 = tpu.vector_load %arg10[%get3A_258, %get3A_259] {strides = array<i32>} : memref<16x16xf32, #tpu.memory_space<vmem>>, vector<16xf32>,
        %max3A_261 = arith.maximumf %max3A_256, %get3A_260 : vector<16xf32>
        %gt3A = arith.constant 0.000000e+00 : f32
        %gt3A_262 = vector.broadcast %gt3A : f32 to vector<16xf32>
        %gt3A_263 = arith.cmpf ogt, %max3A_261, %gt3A_262 : vector<16xf32>
        %jit3A_264 = arith.constant -1 : i32
        %broadcast_in_dim3A_265 = vector.broadcast %jit3A_264 : i32 to vector<16xi32>
        %select_n3A_266 = arith.select %gt3A_263, %iota3A, %broadcast_in_dim3A_265 : vector<16xi1>, vector<16xi32>
        %broadcast_in_dim3A_267 = arith.constant true
        %broadcast_in_dim3A_268 = vector.broadcast %broadcast_in_dim3A_267 : i1 to vector<16xi1>
        %masked_cummax3A = arith.constant -2147483648 : i32
        %masked_cummax3A_269 = vector.broadcast %masked_cummax3A : i32 to vector<16xi32>
        %masked_cummax3A_270 = arith.xori %select_n3A_266, %masked_cummax3A_269 : vector<16xi32>
        %masked_cummax3A_271 = tpu.scan <max>, %masked_cummax3A_270 masked %broadcast_in_dim3A_268 : vector<16xi32>, vector<16xi1> -> vector<16xi32>
        %masked_cummax3A_272 = arith.xori %masked_cummax3A_271, %masked_cummax3A_269 : vector<16xi32>
        %gt3A_273 = arith.constant 0.000000e+00 : f32
        %gt3A_274 = vector.broadcast %gt3A_273 : f32 to vector<16xf32>
        %gt3A_275 = arith.cmpf ogt, %max3A_261, %gt3A_274 : vector<16xf32>
        %jit3A_276 = arith.constant 16 : i32
        %broadcast_in_dim3A_277 = vector.broadcast %jit3A_276 : i32 to vector<16xi32>
        %select_n3A_278 = arith.select %gt3A_275, %iota3A, %broadcast_in_dim3A_277 : vector<16xi1>, vector<16xi32>
        %reduce_min3A_279 = arith.constant true
        %reduce_min3A_280 = vector.broadcast %reduce_min3A_279 : i1 to vector<16xi1>
        %reduce_min3A_281 = arith.constant -2147483648 : i32
        %reduce_min3A_282 = vector.broadcast %reduce_min3A_281 : i32 to vector<16xi32>
        %reduce_min3A_283 = arith.xori %select_n3A_278, %reduce_min3A_282 : vector<16xi32>
        %reduce_min3A_284 = tpu.scan <min>, %reduce_min3A_283 masked %reduce_min3A_280 : vector<16xi32>, vector<16xi1> -> vector<16xi32>
        %reduce_min3A_285 = arith.xori %reduce_min3A_284, %reduce_min3A_282 : vector<16xi32>
        %reduce_min3A_286 = vector.extract %reduce_min3A_285[15] : i32 from vector<16xi32>
        %ge3A = arith.constant 0 : i32
        %ge3A_287 = vector.broadcast %ge3A : i32 to vector<16xi32>
        %ge3A_288 = arith.cmpi sge, %masked_cummax3A_272, %ge3A_287 : vector<16xi32>
        %broadcast_in_dim3A_289 = vector.broadcast %reduce_min3A_286 : i32 to vector<16xi32>
        %select_n3A_290 = arith.select %ge3A_288, %masked_cummax3A_272, %broadcast_in_dim3A_289 : vector<16xi1>, vector<16xi32>
        %swap3A_291 = arith.constant 0 : index
        %swap3A_292 = tpu.vector_load %arg9[%swap3A_291] {strides = array<i32>} : memref<16xi32, #tpu.memory_space<vmem>>, vector<16xi32>,
        tpu.vector_store %arg9[%swap3A_291], %select_n3A_290 {strides = array<i32>} : memref<16xi32, #tpu.memory_space<vmem>>, vector<16xi32>,
        "tpu.region"() ({
          %run_scoped3A = tpu.sem_alloc : memref<!tpu.dma_semaphore, #tpu.memory_space<semaphore_mem>>
          tpu.enqueue_dma source(%arg9 : memref<16xi32, #tpu.memory_space<vmem>>) target(%arg5 : memref<16xi32, #tpu.memory_space<hbm>>) target_semaphore(%run_scoped3A : memref<!tpu.dma_semaphore, #tpu.memory_space<semaphore_mem>>)
          tpu.wait_dma2 semaphore(%run_scoped3A : memref<!tpu.dma_semaphore, #tpu.memory_space<semaphore_mem>>) src(%arg9 : memref<16xi32, #tpu.memory_space<vmem>>) dst(%arg5 : memref<16xi32, #tpu.memory_space<hbm>>)
          tpu.yield
        }) : () -> ()
      } else {
      }
    } else {
    }
    return
  }
}

module attributes {stable_mosaic.version = 14 : i64} {
  func.func @_moe_kernel(%arg0: i32, %arg1: i32, %arg2: memref<16xi32, #tpu.memory_space<smem>>, %arg3: memref<32x2048xf32, #tpu.memory_space<vmem>>, %arg4: memref<32x16xf32, #tpu.memory_space<vmem>>, %arg5: memref<1x2048x512xf32, #tpu.memory_space<vmem>>, %arg6: memref<1x2048x512xf32, #tpu.memory_space<vmem>>, %arg7: memref<1x512x2048xf32, #tpu.memory_space<vmem>>, %arg8: memref<1x32x2048xf32, #tpu.memory_space<vmem>>) attributes {dimension_semantics = [#tpu.dimension_semantics<arbitrary>, #tpu.dimension_semantics<arbitrary>], iteration_bounds = array<i64: 4, 16>, scalar_prefetch = 1 : i64, scratch_operands = 0 : i64, tpu.core_type = #tpu.core_type<tc>, window_params = [{pipeline_mode = #tpu.pipeline_mode<synchronous>, transform_indices = @transform_0, window_bounds = array<i64: 32, 2048>}, {pipeline_mode = #tpu.pipeline_mode<synchronous>, transform_indices = @transform_1, window_bounds = array<i64: 32, 16>}, {transform_indices = @transform_2, window_bounds = array<i64: 1, 2048, 512>}, {transform_indices = @transform_3, window_bounds = array<i64: 1, 2048, 512>}, {transform_indices = @transform_4, window_bounds = array<i64: 1, 512, 2048>}, {pipeline_mode = #tpu.pipeline_mode<synchronous>, transform_indices = @transform_5, window_bounds = array<i64: 1, 32, 2048>}]} {
    %eq3A = arith.constant 0 : i32
    %eq3A_0 = arith.cmpi eq, %arg0, %eq3A : i32
    %eq3A_1 = arith.constant 0 : i32
    %eq3A_2 = arith.cmpi eq, %arg1, %eq3A_1 : i32
    %and3A = arith.andi %eq3A_0, %eq3A_2 : i1
    %convert_element_type3A = arith.extui %and3A : i1 to i32
    %cond3A = arith.constant 0 : i32
    %cond3A_3 = arith.cmpi ne, %convert_element_type3A, %cond3A : i32
    scf.if %cond3A_3 {
      %broadcast_in_dim3A = arith.constant 0.000000e+00 : f32
      %broadcast_in_dim3A_9 = vector.broadcast %broadcast_in_dim3A : f32 to vector<1x32x2048xf32>
      %swap3A = arith.constant 0 : index
      %swap3A_10 = arith.constant 0 : index
      %swap3A_11 = arith.constant 0 : index
      %swap3A_12 = vector.load %arg8[%swap3A, %swap3A_10, %swap3A_11] : memref<1x32x2048xf32, #tpu.memory_space<vmem>>, vector<1x32x2048xf32>
      tpu.vector_store %arg8[%swap3A, %swap3A_10, %swap3A_11], %broadcast_in_dim3A_9 {strides = array<i32>} : memref<1x32x2048xf32, #tpu.memory_space<vmem>>, vector<1x32x2048xf32>,
    } else {
    }
    %get3A = arith.index_cast %arg1 : i32 to index
    %get3A_4 = memref.load %arg2[%get3A] : memref<16xi32, #tpu.memory_space<smem>>
    %eq3A_5 = arith.cmpi eq, %get3A_4, %arg1 : i32
    %convert_element_type3A_6 = arith.extui %eq3A_5 : i1 to i32
    %cond3A_7 = arith.constant 0 : i32
    %cond3A_8 = arith.cmpi ne, %convert_element_type3A_6, %cond3A_7 : i32
    scf.if %cond3A_8 {
      %get3A_9 = arith.constant 0 : index
      %get3A_10 = arith.constant 0 : index
      %get3A_11 = vector.load %arg3[%get3A_9, %get3A_10] : memref<32x2048xf32, #tpu.memory_space<vmem>>, vector<32x2048xf32>
      %get3A_12 = arith.constant 0 : index
      %get3A_13 = arith.constant 0 : index
      %get3A_14 = arith.constant 0 : index
      %get3A_15 = vector.load %arg5[%get3A_12, %get3A_13, %get3A_14] : memref<1x2048x512xf32, #tpu.memory_space<vmem>>, vector<1x2048x512xf32>
      %get3A_16 = vector.shape_cast %get3A_15 : vector<1x2048x512xf32> to vector<2048x512xf32>
      %dot_general3A = arith.constant dense<0.000000e+00> : vector<32x512xf32>
      %dot_general3A_17 = tpu.matmul %get3A_11, %get3A_16, %dot_general3A {dimension_numbers = #tpu.dot_dimension_numbers<[1], [0], [0], [1], [0, 0, 1, 1], [], []>, transpose_lhs_hint = false} : vector<32x2048xf32>, vector<2048x512xf32>, vector<32x512xf32> -> vector<32x512xf32>
      %get3A_18 = arith.constant 0 : index
      %get3A_19 = arith.constant 0 : index
      %get3A_20 = arith.constant 0 : index
      %get3A_21 = vector.load %arg6[%get3A_18, %get3A_19, %get3A_20] : memref<1x2048x512xf32, #tpu.memory_space<vmem>>, vector<1x2048x512xf32>
      %get3A_22 = vector.shape_cast %get3A_21 : vector<1x2048x512xf32> to vector<2048x512xf32>
      %dot_general3A_23 = arith.constant dense<0.000000e+00> : vector<32x512xf32>
      %dot_general3A_24 = tpu.matmul %get3A_11, %get3A_22, %dot_general3A_23 {dimension_numbers = #tpu.dot_dimension_numbers<[1], [0], [0], [1], [0, 0, 1, 1], [], []>, transpose_lhs_hint = false} : vector<32x2048xf32>, vector<2048x512xf32>, vector<32x512xf32> -> vector<32x512xf32>
      %logistic3A = arith.negf %dot_general3A_17 : vector<32x512xf32>
      %logistic3A_25 = math.exp %logistic3A : vector<32x512xf32>
      %logistic3A_26 = arith.constant 1.000000e+00 : f32
      %logistic3A_27 = vector.broadcast %logistic3A_26 : f32 to vector<32x512xf32>
      %logistic3A_28 = arith.addf %logistic3A_27, %logistic3A_25 : vector<32x512xf32>
      %logistic3A_29 = arith.divf %logistic3A_27, %logistic3A_28 : vector<32x512xf32>
      %mul3A = arith.mulf %dot_general3A_17, %logistic3A_29 : vector<32x512xf32>
      %mul3A_30 = arith.mulf %mul3A, %dot_general3A_24 : vector<32x512xf32>
      %get3A_31 = arith.constant 0 : index
      %get3A_32 = arith.constant 0 : index
      %get3A_33 = arith.constant 0 : index
      %get3A_34 = vector.load %arg7[%get3A_31, %get3A_32, %get3A_33] : memref<1x512x2048xf32, #tpu.memory_space<vmem>>, vector<1x512x2048xf32>
      %get3A_35 = vector.shape_cast %get3A_34 : vector<1x512x2048xf32> to vector<512x2048xf32>
      %dot_general3A_36 = arith.constant dense<0.000000e+00> : vector<32x2048xf32>
      %dot_general3A_37 = tpu.matmul %mul3A_30, %get3A_35, %dot_general3A_36 {dimension_numbers = #tpu.dot_dimension_numbers<[1], [0], [0], [1], [0, 0, 1, 1], [], []>, transpose_lhs_hint = false} : vector<32x512xf32>, vector<512x2048xf32>, vector<32x2048xf32> -> vector<32x2048xf32>
      %iota3A = tpu.iota {dimensions = array<i32: 1>} : vector<32x16xi32>
      %eq3A_38 = vector.broadcast %arg1 : i32 to vector<32x16xi32>
      %eq3A_39 = arith.cmpi eq, %iota3A, %eq3A_38 : vector<32x16xi32>
      %get3A_40 = arith.constant 0 : index
      %get3A_41 = arith.constant 0 : index
      %get3A_42 = vector.load %arg4[%get3A_40, %get3A_41] : memref<32x16xf32, #tpu.memory_space<vmem>>, vector<32x16xf32>
      %jit3A = arith.constant 0.000000e+00 : f32
      %broadcast_in_dim3A = vector.broadcast %jit3A : f32 to vector<32x16xf32>
      %select_n3A = arith.select %eq3A_39, %get3A_42, %broadcast_in_dim3A : vector<32x16xi1>, vector<32x16xf32>
      %reduce_sum3A = arith.constant dense<0.000000e+00> : vector<32xf32>
      %reduce_sum3A_43 = vector.multi_reduction <add>, %select_n3A, %reduce_sum3A [1] : vector<32x16xf32> to vector<32xf32>
      %broadcast_in_dim3A_44 = vector.shape_cast %reduce_sum3A_43 : vector<32xf32> to vector<32x1xf32>
      %get3A_45 = arith.constant 0 : index
      %get3A_46 = arith.constant 0 : index
      %get3A_47 = arith.constant 0 : index
      %get3A_48 = vector.load %arg8[%get3A_45, %get3A_46, %get3A_47] : memref<1x32x2048xf32, #tpu.memory_space<vmem>>, vector<1x32x2048xf32>
      %mul3A_49 = vector.broadcast %broadcast_in_dim3A_44 : vector<32x1xf32> to vector<32x2048xf32>
      %mul3A_50 = arith.mulf %dot_general3A_37, %mul3A_49 : vector<32x2048xf32>
      %broadcast_in_dim3A_51 = vector.shape_cast %mul3A_50 : vector<32x2048xf32> to vector<1x32x2048xf32>
      %add3A = arith.addf %get3A_48, %broadcast_in_dim3A_51 : vector<1x32x2048xf32>
      %swap3A = arith.constant 0 : index
      %swap3A_52 = arith.constant 0 : index
      %swap3A_53 = arith.constant 0 : index
      %swap3A_54 = vector.load %arg8[%swap3A, %swap3A_52, %swap3A_53] : memref<1x32x2048xf32, #tpu.memory_space<vmem>>, vector<1x32x2048xf32>
      tpu.vector_store %arg8[%swap3A, %swap3A_52, %swap3A_53], %add3A {strides = array<i32>} : memref<1x32x2048xf32, #tpu.memory_space<vmem>>, vector<1x32x2048xf32>,
    } else {
    }
    return
  }
  func.func @transform_0(%arg0: i32, %arg1: i32, %arg2: memref<16xi32, #tpu.memory_space<smem>>) -> (i32, i32) {
    %c0_i32 = arith.constant 0 : i32
    %c0_i32_0 = arith.constant 0 : i32
    %c0_i32_1 = arith.constant 0 : i32
    return %c0_i32, %c0_i32_0 : i32, i32
  }
  func.func @transform_1(%arg0: i32, %arg1: i32, %arg2: memref<16xi32, #tpu.memory_space<smem>>) -> (i32, i32) {
    %c0_i32 = arith.constant 0 : i32
    %c0_i32_0 = arith.constant 0 : i32
    %c0_i32_1 = arith.constant 0 : i32
    return %c0_i32, %c0_i32_0 : i32, i32
  }
  func.func @transform_2(%arg0: i32, %arg1: i32, %arg2: memref<16xi32, #tpu.memory_space<smem>>) -> (i32, i32, i32) {
    %get3A = arith.index_cast %arg1 : i32 to index
    %get3A_0 = memref.load %arg2[%get3A] : memref<16xi32, #tpu.memory_space<smem>>
    %c0_i32 = arith.constant 0 : i32
    %c0_i32_1 = arith.constant 0 : i32
    return %get3A_0, %c0_i32, %arg0 : i32, i32, i32
  }
  func.func @transform_3(%arg0: i32, %arg1: i32, %arg2: memref<16xi32, #tpu.memory_space<smem>>) -> (i32, i32, i32) {
    %get3A = arith.index_cast %arg1 : i32 to index
    %get3A_0 = memref.load %arg2[%get3A] : memref<16xi32, #tpu.memory_space<smem>>
    %c0_i32 = arith.constant 0 : i32
    %c0_i32_1 = arith.constant 0 : i32
    return %get3A_0, %c0_i32, %arg0 : i32, i32, i32
  }
  func.func @transform_4(%arg0: i32, %arg1: i32, %arg2: memref<16xi32, #tpu.memory_space<smem>>) -> (i32, i32, i32) {
    %get3A = arith.index_cast %arg1 : i32 to index
    %get3A_0 = memref.load %arg2[%get3A] : memref<16xi32, #tpu.memory_space<smem>>
    %c0_i32 = arith.constant 0 : i32
    %c0_i32_1 = arith.constant 0 : i32
    return %get3A_0, %arg0, %c0_i32 : i32, i32, i32
  }
  func.func @transform_5(%arg0: i32, %arg1: i32, %arg2: memref<16xi32, #tpu.memory_space<smem>>) -> (i32, i32, i32) {
    %c0_i32 = arith.constant 0 : i32
    %c0_i32_0 = arith.constant 0 : i32
    %c0_i32_1 = arith.constant 0 : i32
    %c0_i32_2 = arith.constant 0 : i32
    return %c0_i32, %c0_i32_0, %c0_i32_1 : i32, i32, i32
  }
}

</mosaic_0001>

<sc_bundles>
// kernel: kernel.4.cloned.1.call-start
scs
__scs_entry_jumppad:
0x0: {  	(pc) =	sbr.rel $0x88, $3  }
0x1: {  	(tag) =	ssettag $0x0;
	lr =	simm.s32 $0x1  }
0x2: {  	[smem:$0x3F9C] =	sst lr;
	_ =	strace $0xD0000000  }
0x3: {  	_ = 	snop  }
0x4: {  	_ = 	snop  }
0x5: {  	_ = 	snop  }
0x6: {  	_ = 	snop  }
0x7: {  	_ = 	snop  }
__scs_overlays_trampoline_lowered:
0x8: {  	[smem:$0x3FAB] =	sst s0  }
0x9: {  	[smem:$0x3FAC] =	sst s1  }
0xa: {  	[smem:$0x3FAD] =	sst s2  }
0xb: {  	[smem:$0x3FAE] =	sst s3  }
0xc: {  	[smem:$0x3FAF] =	sst s4  }
0xd: {  	[smem:$0x3FB0] =	sst s5  }
0xe: {  	[smem:$0x3FB1] =	sst s6  }
0xf: {  	[smem:$0x3FB2] =	sst s7  }
0x10: {  	[smem:$0x3FB3] =	sst s8  }
0x11: {  	[smem:$0x3FB4] =	sst s9;
	s0 =	simm.s32 @!p0 $0x0  }
0x12: {  	s1 =	sld [smem:$0x3F9A];
	s0 =	simm.s32 @p0 $0x1  }
0x13: {  	[smem:$0x3FB5] =	sst s0;
	s0 =	simm.s32 @!p1 $0x0  }
0x14: {  	s2 =	sld [smem:$0x3F99];
	s0 =	simm.s32 @p1 $0x1  }
0x15: {  	[smem:$0x3FB6] =	sst s0;
	s0 =	simm.s32 @!p2 $0x0  }
0x16: {  	s3 =	sld [smem:$0x3FDB];
	s0 =	simm.s32 @p2 $0x1  }
0x17: {  	s4 =	simm.s32 $0x1BF5;
	[smem:$0x3FB8] =	sst s0  }
0x18: {  	s0 =	sld [smem:$0x3F9B];
	_ =	swait.ge [sflag:s4], $0x0  }
0x19: {  	s7 =	sld [smem:$0x3F9C]  }
0x1a: {  	s8 =	sadd.s32 $0xFFFFE003, lr  }
0x1b: {  	s9 =	sadd.s32 $0xFFFFFEF7, lr;
	s5 =	simm.s32 $0xFFFFFFFF;
	p2 =	slt.u32 s8, $0xFFFFF086  }
0x1c: {  	p1 =	slt.u32 s9, $0xF7A;
	s5 =	simm.s32 @!p2 $0x0  }
0x1d: {  	s5 =	simm.s32 @p1 $0x1;
	p0 =	seq.s32 s7, s2  }
0x1e: {  	s7 =	smul.u32 @!p0 $0xF7A, s2;
	p2 =	seq.s32 @!p0 s5, $0x0  }
0x1f: {  	s9 =	smul.u32 $0xF7A, s1;
	s8 =	simm.s32 @!p0 $0x1BF5;
	p2 =	por !p2, p0  }
0x20: {  	[sflag:s8] =	ssyncset.s32 @!p0 $0xFFFFF086;
	s6 =	sadd.s32 @!p0 s3, s7;
	s7 =	simm.s32 @!p0 $0x108  }
0x21: {  	s3 =	sadd.s32 s3, s9;
	s6 =	sadd.s32 @!p0 $0x88, s6;
	s7 =	simm.s32 @p2 $0x1082  }
0x22: {  	[simem:s7], [sflag:s8] =	dma.local @!p0 [hbm:s6], $0xF7A  }
0x23: {  	s9 =	sor.u32 $0xD0000000, s2;
	s6 =	simm.s32 $0x108;
	_ =	swait.ge @!p0 [sflag:s8], $0x0  }
0x24: {  	s3 =	sadd.s32 $0x88, s3;
	s6 =	simm.s32 @!p1 $0x1082;
	[sflag:s4] =	ssyncset.s32 $0xFFFFF086  }
0x25: {  	[simem:s6], [sflag:s4] =	dma.local [hbm:s3], $0xF7A  }
0x26: {  	[smem:$0x3F9C] =	sst s1;
	(tag) =	ssettag s2;
	_ =	strace s9  }
0x27: {  	s1 =	sld [smem:$0x3FAC]  }
0x28: {  	s2 =	sld [smem:$0x3FAD]  }
0x29: {  	s4 =	sld [smem:$0x3FAF]  }
0x2a: {  	p0 =	seq.s32 s5, $0x0;
	s5 =	sld [smem:$0x3FB0]  }
0x2b: {  	s6 =	sld [smem:$0x3FB1]  }
0x2c: {  	s7 =	sld [smem:$0x3FB2]  }
0x2d: {  	s3 =	simm.s32 $0x108;
	s8 =	sld [smem:$0x3FB3]  }
0x2e: {  	s3 =	simm.s32 @!p0 $0x1082;
	s9 =	sld [smem:$0x3FB4]  }
0x2f: {  	lr =	sadd.s32 s0, s3;
	s0 =	sld [smem:$0x3FAB]  }
0x30: {  	s3 =	sld [smem:$0x3FAE]  }
0x31: {  	[smem:$0x3FB7] =	sst s10  }
0x32: {  	s10 =	sld [smem:$0x3FB5];
	_ =	sdelay $0x3  }
0x33: {  	p0 =	seq.s32 s10, $0x1;
	s10 =	sld [smem:$0x3FB7];
	_ =	sdelay $0x3  }
0x34: {  	[smem:$0x3FB7] =	sst s10  }
0x35: {  	s10 =	sld [smem:$0x3FB6];
	_ =	sdelay $0x3  }
0x36: {  	p1 =	seq.s32 s10, $0x1;
	s10 =	sld [smem:$0x3FB7];
	_ =	sdelay $0x3  }
0x37: {  	[smem:$0x3FB7] =	sst s10  }
0x38: {  	s10 =	sld [smem:$0x3FB8]  }
0x39: {  	_ = 	snop;
	(pc) =	sbr.ind lr, $3  }
0x3a: {  	_ = 	snop  }
0x3b: {  	_ = 	snop  }
0x3c: {  	p2 =	seq.s32 s10, $0x1;
	s10 =	sld [smem:$0x3FB7]  }
0x3d: {  	_ =	shalt  }
0x3e: {  	_ =	shalt  }
0x3f: {  	_ =	shalt  }
0x40: {  	_ =	shalt  }
0x41: {  	_ =	shalt  }
0x42: {  	_ =	shalt  }
0x43: {  	_ =	shalt  }
0x44: {  	_ =	shalt  }
0x45: {  	_ =	shalt  }
0x46: {  	_ =	shalt  }
0x47: {  	_ =	shalt  }
0x48: {  	_ =	shalt  }
0x49: {  	_ =	shalt  }
0x4a: {  	_ =	shalt  }
0x4b: {  	_ =	shalt  }
0x4c: {  	_ =	shalt  }
0x4d: {  	_ =	shalt  }
0x4e: {  	_ =	shalt  }
0x4f: {  	_ =	shalt  }
0x50: {  	_ =	shalt  }
0x51: {  	_ =	shalt  }
0x52: {  	_ =	shalt  }
0x53: {  	_ =	shalt  }
0x54: {  	_ =	shalt  }
0x55: {  	_ =	shalt  }
0x56: {  	_ =	shalt  }
0x57: {  	_ =	shalt  }
0x58: {  	_ =	shalt  }
0x59: {  	_ =	shalt  }
0x5a: {  	_ =	shalt  }
0x5b: {  	_ =	shalt  }
0x5c: {  	_ =	shalt  }
0x5d: {  	_ =	shalt  }
0x5e: {  	_ =	shalt  }
0x5f: {  	_ =	shalt  }
0x60: {  	_ =	shalt  }
0x61: {  	_ =	shalt  }
0x62: {  	_ =	shalt  }
0x63: {  	_ =	shalt  }
0x64: {  	_ =	shalt  }
0x65: {  	_ =	shalt  }
0x66: {  	_ =	shalt  }
0x67: {  	_ =	shalt  }
0x68: {  	_ =	shalt  }
0x69: {  	_ =	shalt  }
0x6a: {  	_ =	shalt  }
0x6b: {  	_ =	shalt  }
0x6c: {  	_ =	shalt  }
0x6d: {  	_ =	shalt  }
0x6e: {  	_ =	shalt  }
0x6f: {  	_ =	shalt  }
0x70: {  	_ =	shalt  }
0x71: {  	_ =	shalt  }
0x72: {  	_ =	shalt  }
0x73: {  	_ =	shalt  }
0x74: {  	_ =	shalt  }
0x75: {  	_ =	shalt  }
0x76: {  	_ =	shalt  }
0x77: {  	_ =	shalt  }
0x78: {  	_ =	shalt  }
0x79: {  	_ =	shalt  }
0x7a: {  	_ =	shalt  }
0x7b: {  	_ =	shalt  }
0x7c: {  	_ =	shalt  }
0x7d: {  	_ =	shalt  }
0x7e: {  	_ =	shalt  }
0x7f: {  	_ =	shalt  }
0x80: {  	_ =	shalt  }
0x81: {  	_ =	shalt  }
0x82: {  	_ =	shalt  }
0x83: {  	_ =	shalt  }
0x84: {  	_ =	shalt  }
0x85: {  	_ =	shalt  }
0x86: {  	_ =	shalt  }
0x87: {  	_ =	shalt  }
.Lfunc_end0:
.L_simem_size_0:
called_computation_lowered:
.L_overlay_start_0:
0x88: {  	s2 =	sld [smem:$0x3FD9]  }
0x89: {  	s3 =	sld [smem:$0x3FFE];
	_ =	sdelay $0x1  }
0x8a: {  	s1 =	srdreg.scid  }
0x8b: {  	s0 =	sand.u32 $0x1, s1  }
0x8c: {  	s17 =	sshll.u32 s0, $0xA;
	s2 =	sadd.s32 s3, s2  }
0x8d: {  	s2 =	sadd.s32 s2, s17  }
0x8e: {  	[smem:$0x3FC3] =	sst s2  }
0x8f: {  	_ = 	snop  }
0x90: {  	s2 =	sld [smem:$0x3FC9]  }
0x91: {  	s18 =	sld [smem:$0x3FD0];
	(tm) =	ssettm $0x1  }
0x92: {  	s4 =	sld [smem:$0x3FFB];
	_ =	sdelay $0x3  }
0x93: {  	_ =	strace s4  }
0x94: {  	s4 =	sld [smem:$0x3FFC];
	_ =	sdelay $0x3  }
0x95: {  	_ =	strace s4  }
0x96: {  	s4 =	sld [smem:$0x3FFD];
	_ =	sdelay $0x3  }
0x97: {  	_ =	strace s4  }
0x98: {  	_ =	strace $0x8FFFFFFF  }
0x99: {  	s19 =	sld [smem:$0x3FDB];
	_ =	sdelay $0x1  }
0x9a: {  	s5 =	simm.s32 $_scs_section_size  }
0x9b: {  	s6 =	simm.s32 $_size__tile_overlayer_lowered;
	s7 =	simm.s32 $_tile_overlayer_lowered  }
0x9c: {  	s22 =	simm.s32 $0x1BFF;
	s21 =	sshll.u32 s7, $0x1;
	s4 =	sadd.s32 s5, s19  }
0x9d: {  	s8 =	simm.s32 $0x0;
	s20 =	sshll.u32 s6, $0x1;
	s6 =	sadd.s32 s21, s4  }
0x9e: {  	[timem:s8], [sflag:s22] =	dma.local [hbm:s6], s20  }
0x9f: {  	_ =	swait.ge [sflag:s22], s20  }
0xa0: {  	s5 =	ssub.s32 $0x0, s20;
	[sflag:s22] =	ssyncset.done $0x0  }
0xa1: {  	[sflag:s22] =	ssyncadd.s32 s5;
	_ =	sdelay $0x1  }
0xa2: {  	s23 =	simm.s32 $0x1B8B  }
0xa3: {  	_ =	swait.ge [sflag:s23], $0x1  }
0xa4: {  	[sflag:s23] =	ssyncset.done $0x0  }
0xa5: {  	s25 =	simm.s32 $0x1B8E;
	s24 =	sld [smem:$0x3FFE];
	[sflag:s23] =	ssyncadd.s32 $0xFFFFFFFF  }
0xa6: {  	s26 =	simm.s32 $execute0_lowered;
	[smem:$0x3FD2] =	sst s25  }
0xa7: {  	s6 =	sshll.u32 s26, $0x1;
	_ =	strace $0x80000046;
	[dreg:$0x1] =	wrdreg $0xFFFFFFFF  }
0xa8: {  	s28 =	simm.s32 $_size_execute0_lowered;
	s4 =	sadd.s32 s4, s6;
	[dreg:$0x0] =	wrdreg $0x0  }
0xa9: {  	s6 =	sshll.u32 s28, $0x1;
	[dreg:$0x2] =	wrdreg s4  }
0xaa: {  	[dreg:$0x3] =	wrdreg s6  }
0xab: {  	[dreg:$0x4] =	wrdreg $0xC0  }
0xac: {  	_ =	task [dreg:s8], $0x5FFFF  }
0xad: {  	[dreg:$0x1] =	wrdreg $0xFFFFFFFF  }
0xae: {  	[dreg:$0x0] =	wrdreg $0x60  }
0xaf: {  	[dreg:$0x2] =	wrdreg s2  }
0xb0: {  	[dreg:$0x3] =	wrdreg s18  }
0xb1: {  	[dreg:$0x4] =	wrdreg s24  }
0xb2: {  	[dreg:$0x5] =	wrdreg $0x91000  }
0xb3: {  	[dreg:$0x6] =	wrdreg $0x9  }
0xb4: {  	_ =	task.clear_ibuf [dreg:s8], $0x7FFFF;
	_ =	strace $0x90000046  }
0xb5: {  	s29 =	simm.s32 $0x9;
	_ =	strace $0x80000048  }
0xb6: {  	_ =	swait.ge [sflag:s29], $0x1  }
0xb7: {  	[sflag:s29] =	ssyncadd.s32 $0xFFFFFFFF  }
0xb8: {  	_ =	strace $0x90000048  }
0xb9: {  	_ =	sfence  }
0xba: {  	s30 =	sld [smem:$0x0];
	_ =	sdelay $0x2  }
0xbb: {  	s31 =	sshll.u32 s1, $0xD;
	s1 =	sshrl.u32 s1, $0x2  }
0xbc: {  	s3 =	sand.u32 $0x4000, s31;
	s1 =	sadd.s32 s1, s30  }
0xbd: {  	s0 =	sor.u32 s3, s0;
	s1 =	sshll.u32 s1, $0x11  }
0xbe: {  	s0 =	sor.u32 s1, s0  }
0xbf: {  	s0 =	sadd.s32 $0x8F2B, s0  }
0xc0: {  	[sflag:s0] =	ssyncadd.remote.s32 $0x1  }
0xc1: {  	_ =	sfence.sel $0xFFFF  }
0xc2: {  	[dreg:$0x0] =	wrdreg $0xFFFFFFFF;
	(pc) =	sbr.abs _section_cstart, $3  }
0xc3: {  	[dreg:$0x1] =	wrdreg $0xFFFFFFFF  }
0xc4: {  	_ =	task.clear_ibuf [dreg:s8], $0x2FFFF;
	_ =	strace $0x9FFFFFFF  }
0xc5: {  	(tm) =	ssettm $0x7FFFFFFF  }
tec
execute0_lowered:
.L_overlay_start_1:
0x0: {  	(tag) =	ssettag $0x1  }
0x1: {  	s1 =	srdreg.scid  }
0x2: {  	s1 =	sand.u32 $0x1, s1  }
0x3: {  	s4 =	rddreg [dreg:$0x0];
	p0 =	seq.s32 s1, $0x1  }
.Ltmp0:
0x4: {  	s5 =	rddreg [dreg:$0x1];
	(pc) =	sbr.rel @p0 .LBB2_6-.Ltmp0, $4  }
0x5: {  	s3 =	rddreg [dreg:$0x2]  }
0x6: {  	s2 =	rddreg [dreg:$0x3];
	s6 =	simm.s32 $0x0  }
0x7: {  	[smem:$0x7FF] =	sst s6  }
0x8: {  	s0 =	rddreg [dreg:$0x4];
	_ =	strace $0x80000047;
	s1 =	stileid.u32  }
0x9: {  	s7 =	sshrl.u32 s1, $0x2;
	s8 =	sshll.u32 s1, $0x8  }
0xa: {  	[tilespmem:s6], [sflag:$0x1] =	stream.linear.gather [hbm4b:s5+s6], $0x8000, $0x38;
	[tilespmem:$0x9110] =	vst v63  }
0xb: {  	s9 =	simm.s32 $0x1;
	s24 =	sand.u32 $0x300, s8;
	s25 =	sshll.u32 s7, $0xE  }
0xc: {  	s11 =	simm.s32 $0x400;
	_ =	swait.ge [sflag:s9], $0x8000;
	s8 =	sor.u32 s24, s25  }
0xd: {  	s12 =	simm.s32 $0x8000;
	[sflag:s9] =	ssyncset.done $0x0;
	s8 =	sshrl.u32 s8, $0x3  }
0xe: {  	[sflag:s9] =	ssyncadd.s32 $0xFFFF8000;
	s10 =	sadd.s32 s4, s8;
	s8 =	simm.s32 $0x80  }
0xf: {  	[tilespmem:s12], [sflag:$0x1] =	stream.strided.gather [hbm4b:s10+s8], $0x800, s11, s8, $0x38;
	[tilespmem:$0x9110] =	vst v63  }
0x10: {  	_ =	swait.ge [sflag:s9], $0x800  }
0x11: {  	[sflag:s9] =	ssyncset.done $0x0  }
0x12: {  	s26 =	simm.s32 $0x0;
	[sflag:s9] =	ssyncadd.s32 $0xFFFFF800  }
0x13: {  	v0 =	vld [tilespmem:s26+$0x8000];
	_ =	sdelay $0x1  }
0x14: {  	v1 =	vld [tilespmem:s8+$0xFFFFFF80];
	_ =	sdelay $0x1  }
0x15: {  	v2 =	vld [tilespmem:s8+$0xFFFFFF90]  }
0x16: {  	v3 =	vbroadcast v0, $0x0  }
0x17: {  	v4 =	vld [tilespmem:s8+$0xFFFFFFA0]  }
0x18: {  	v1 =	vmul.f32 v1, v3;
	v3 =	vbroadcast v0, $0x1  }
0x19: {  	v5 =	vimm.f32 $0.0e+00;
	v6 =	vld [tilespmem:s8+$0xFFFFFFB0]  }
0x1a: {  	v1 =	vadd.f32 v1, v5;
	v2 =	vmul.f32 v2, v3;
	v3 =	vbroadcast v0, $0x2  }
0x1b: {  	v5 =	vld [tilespmem:s8+$0xFFFFFFC0]  }
0x1c: {  	v1 =	vadd.f32 v2, v1;
	v2 =	vmul.f32 v4, v3;
	v3 =	vbroadcast v0, $0x3  }
0x1d: {  	v4 =	vld [tilespmem:s8+$0xFFFFFFD0]  }
0x1e: {  	v1 =	vadd.f32 v2, v1;
	v2 =	vmul.f32 v6, v3;
	v3 =	vbroadcast v0, $0x4  }
0x1f: {  	v6 =	vld [tilespmem:s8+$0xFFFFFFE0]  }
0x20: {  	v1 =	vadd.f32 v2, v1;
	v2 =	vmul.f32 v5, v3;
	v3 =	vbroadcast v0, $0x5  }
0x21: {  	v5 =	vld [tilespmem:s8+$0xFFFFFFF0]  }
0x22: {  	v1 =	vadd.f32 v2, v1;
	v2 =	vmul.f32 v4, v3;
	v3 =	vbroadcast v0, $0x6  }
0x23: {  	v4 =	vld [tilespmem:s8+$0x0]  }
0x24: {  	v1 =	vadd.f32 v2, v1;
	v2 =	vmul.f32 v6, v3;
	v3 =	vbroadcast v0, $0x7  }
0x25: {  	v6 =	vld [tilespmem:s8+$0x10]  }
0x26: {  	v1 =	vadd.f32 v2, v1;
	v2 =	vmul.f32 v5, v3;
	v3 =	vbroadcast v0, $0x8  }
0x27: {  	v5 =	vld [tilespmem:s8+$0x20]  }
0x28: {  	v1 =	vadd.f32 v2, v1;
	v2 =	vmul.f32 v4, v3;
	v3 =	vbroadcast v0, $0x9  }
0x29: {  	v4 =	vld [tilespmem:s8+$0x30]  }
0x2a: {  	v1 =	vadd.f32 v2, v1;
	v2 =	vmul.f32 v6, v3;
	v3 =	vbroadcast v0, $0xA  }
0x2b: {  	s28 =	sadd.s32 $0xE00, s3;
	s3 =	sadd.s32 $0x1000, s3;
	v6 =	vld [tilespmem:s8+$0x40]  }
0x2c: {  	s31 =	sshll.u32 s1, $0x7;
	s7 =	sshll.u32 s7, $0xA;
	s6 =	sor.u32 $0x80, s24;
	v2 =	vadd.f32 v2, v1;
	v3 =	vmul.f32 v5, v3;
	v5 =	vbroadcast v0, $0xB  }
0x2d: {  	s29 =	sor.u32 s24, s7;
	s5 =	sor.u32 s25, s6;
	s6 =	sor.u32 s7, s6;
	v1 =	vld [tilespmem:s8+$0x50]  }
0x2e: {  	s5 =	sshrl.u32 s5, $0x3;
	s30 =	sshrl.u32 s6, $0x3;
	s10 =	sshrl.u32 s29, $0x3;
	v3 =	vadd.f32 v3, v2;
	v4 =	vmul.f32 v4, v5;
	v5 =	vbroadcast v0, $0xC  }
0x2f: {  	s6 =	sadd.s32 s4, s5;
	s5 =	sadd.s32 s28, s30;
	s4 =	sadd.s32 s31, s2;
	v2 =	vld [tilespmem:s8+$0x60]  }
0x30: {  	s7 =	sadd.s32 s28, s10;
	s10 =	simm.s32 $0x10;
	s9 =	simm.s32 $0x80;
	v4 =	vadd.f32 v4, v3;
	v5 =	vmul.f32 v6, v5;
	v6 =	vbroadcast v0, $0xD;
	v3 =	vld [tilespmem:s8+$0x70]  }
.LBB2_2:
0x31: {  	p0 =	sne.s32 s9, $0x1FC0;
	v7 =	vld [tilespmem:s10+$0x8000]  }
0x32: {  	s8 =	sadd.s32 $0x100, s8;
	v4 =	vadd.f32 v5, v4;
	v1 =	vmul.f32 v1, v6;
	v5 =	vbroadcast v0, $0xE  }
0x33: {  	v6 =	vld [tilespmem:s8+$0xFFFFFF80]  }
0x34: {  	v8 =	vbroadcast v0, $0xF;
	v1 =	vadd.f32 v1, v4;
	v2 =	vmul.f32 v2, v5  }
0x35: {  	v4 =	vld [tilespmem:s8+$0xFFFFFF90]  }
0x36: {  	v5 =	vbroadcast v7, $0x0;
	v1 =	vadd.f32 v2, v1;
	v2 =	vmul.f32 v3, v8;
	v0 =	vmovc v7  }
0x37: {  	v3 =	vld [tilespmem:s8+$0xFFFFFFA0]  }
0x38: {  	v5 =	vmul.f32 v6, v5;
	v6 =	vbroadcast v0, $0x1;
	v1 =	vadd.f32 v2, v1  }
0x39: {  	v2 =	vld [tilespmem:s8+$0xFFFFFFB0]  }
0x3a: {  	v1 =	vadd.f32 v5, v1;
	v4 =	vmul.f32 v4, v6;
	v5 =	vbroadcast v0, $0x2  }
0x3b: {  	v6 =	vld [tilespmem:s8+$0xFFFFFFC0]  }
0x3c: {  	v1 =	vadd.f32 v4, v1;
	v3 =	vmul.f32 v3, v5;
	v4 =	vbroadcast v0, $0x3  }
0x3d: {  	v5 =	vld [tilespmem:s8+$0xFFFFFFD0]  }
0x3e: {  	v1 =	vadd.f32 v3, v1;
	v2 =	vmul.f32 v2, v4;
	v3 =	vbroadcast v0, $0x4  }
0x3f: {  	v4 =	vld [tilespmem:s8+$0xFFFFFFE0]  }
0x40: {  	v1 =	vadd.f32 v2, v1;
	v2 =	vmul.f32 v6, v3;
	v3 =	vbroadcast v0, $0x5  }
0x41: {  	v6 =	vld [tilespmem:s8+$0xFFFFFFF0]  }
0x42: {  	v1 =	vadd.f32 v2, v1;
	v2 =	vmul.f32 v5, v3;
	v3 =	vbroadcast v0, $0x6  }
0x43: {  	v5 =	vld [tilespmem:s8+$0x0]  }
0x44: {  	v1 =	vadd.f32 v2, v1;
	v2 =	vmul.f32 v4, v3;
	v3 =	vbroadcast v0, $0x7  }
0x45: {  	v4 =	vld [tilespmem:s8+$0x10]  }
0x46: {  	v1 =	vadd.f32 v2, v1;
	v2 =	vmul.f32 v6, v3;
	v3 =	vbroadcast v0, $0x8  }
0x47: {  	v6 =	vld [tilespmem:s8+$0x20]  }
0x48: {  	v1 =	vadd.f32 v2, v1;
	v2 =	vmul.f32 v5, v3;
	v3 =	vbroadcast v0, $0x9  }
0x49: {  	v5 =	vld [tilespmem:s8+$0x30]  }
0x4a: {  	v1 =	vadd.f32 v2, v1;
	v2 =	vmul.f32 v4, v3;
	v3 =	vbroadcast v0, $0xA  }
0x4b: {  	v7 =	vld [tilespmem:s8+$0x40]  }
.Ltmp1:
0x4c: {  	v4 =	vbroadcast v0, $0xB;
	v2 =	vadd.f32 v2, v1;
	v3 =	vmul.f32 v6, v3;
	(pc) =	sbr.rel @p0 .LBB2_2-.Ltmp1, $4  }
0x4d: {  	v1 =	vld [tilespmem:s8+$0x50]  }
0x4e: {  	v3 =	vadd.f32 v3, v2;
	v4 =	vmul.f32 v5, v4;
	v5 =	vbroadcast v0, $0xC  }
0x4f: {  	v2 =	vld [tilespmem:s8+$0x60]  }
0x50: {  	s10 =	sshra.s32 s9, $0x2;
	s9 =	sadd.s32 $0x40, s9;
	v6 =	vbroadcast v0, $0xD;
	v4 =	vadd.f32 v4, v3;
	v5 =	vmul.f32 v7, v5;
	v3 =	vld [tilespmem:s8+$0x70]  }
0x51: {  	v7 =	vld [tilespmem:s10+$0x8000]  }
0x52: {  	s8 =	sadd.s32 $0x100, s8;
	v4 =	vadd.f32 v5, v4;
	v1 =	vmul.f32 v1, v6;
	v5 =	vbroadcast v0, $0xE  }
0x53: {  	v6 =	vld [tilespmem:s8+$0xFFFFFF80]  }
0x54: {  	v0 =	vbroadcast v0, $0xF;
	v1 =	vadd.f32 v1, v4;
	v2 =	vmul.f32 v2, v5  }
0x55: {  	v4 =	vld [tilespmem:s8+$0xFFFFFF90]  }
0x56: {  	v0 =	vmul.f32 v3, v0;
	v5 =	vbroadcast v7, $0x0;
	v1 =	vadd.f32 v2, v1  }
0x57: {  	v2 =	vld [tilespmem:s8+$0xFFFFFFA0]  }
0x58: {  	v3 =	vmul.f32 v6, v5;
	v5 =	vbroadcast v7, $0x1;
	v0 =	vadd.f32 v0, v1  }
0x59: {  	v1 =	vld [tilespmem:s8+$0xFFFFFFB0]  }
0x5a: {  	v0 =	vadd.f32 v3, v0;
	v3 =	vmul.f32 v4, v5;
	v4 =	vbroadcast v7, $0x2  }
0x5b: {  	v5 =	vld [tilespmem:s8+$0xFFFFFFC0]  }
0x5c: {  	v0 =	vadd.f32 v3, v0;
	v2 =	vmul.f32 v2, v4;
	v3 =	vbroadcast v7, $0x3  }
0x5d: {  	v4 =	vld [tilespmem:s8+$0xFFFFFFD0]  }
0x5e: {  	v0 =	vadd.f32 v2, v0;
	v1 =	vmul.f32 v1, v3;
	v2 =	vbroadcast v7, $0x4  }
0x5f: {  	v3 =	vld [tilespmem:s8+$0xFFFFFFE0]  }
0x60: {  	v0 =	vadd.f32 v1, v0;
	v1 =	vmul.f32 v5, v2;
	v2 =	vbroadcast v7, $0x5  }
0x61: {  	v5 =	vld [tilespmem:s8+$0xFFFFFFF0]  }
0x62: {  	v0 =	vadd.f32 v1, v0;
	v1 =	vmul.f32 v4, v2;
	v2 =	vbroadcast v7, $0x6  }
0x63: {  	v4 =	vld [tilespmem:s8+$0x0]  }
0x64: {  	v0 =	vadd.f32 v1, v0;
	v1 =	vmul.f32 v3, v2;
	v2 =	vbroadcast v7, $0x7  }
0x65: {  	v3 =	vld [tilespmem:s8+$0x10]  }
0x66: {  	v0 =	vadd.f32 v1, v0;
	v1 =	vmul.f32 v5, v2;
	v2 =	vbroadcast v7, $0x8  }
0x67: {  	v5 =	vld [tilespmem:s8+$0x20]  }
0x68: {  	v0 =	vadd.f32 v1, v0;
	v1 =	vmul.f32 v4, v2;
	v2 =	vbroadcast v7, $0x9  }
0x69: {  	v4 =	vld [tilespmem:s8+$0x30]  }
0x6a: {  	v0 =	vadd.f32 v1, v0;
	v1 =	vmul.f32 v3, v2;
	v2 =	vbroadcast v7, $0xA  }
0x6b: {  	v3 =	vld [tilespmem:s8+$0x40]  }
0x6c: {  	v0 =	vadd.f32 v1, v0;
	v1 =	vmul.f32 v5, v2;
	v2 =	vbroadcast v7, $0xB  }
0x6d: {  	v5 =	vld [tilespmem:s8+$0x50]  }
0x6e: {  	v0 =	vadd.f32 v1, v0;
	v1 =	vmul.f32 v4, v2;
	v2 =	vbroadcast v7, $0xC  }
0x6f: {  	v4 =	vld [tilespmem:s8+$0x60]  }
0x70: {  	v0 =	vadd.f32 v1, v0;
	v1 =	vmul.f32 v3, v2;
	v2 =	vbroadcast v7, $0xD  }
0x71: {  	v3 =	vld [tilespmem:s8+$0x70]  }
0x72: {  	v0 =	vadd.f32 v1, v0;
	v1 =	vmul.f32 v5, v2;
	v2 =	vbroadcast v7, $0xE;
	_ =	sdelay $0x1  }
0x73: {  	v0 =	vadd.f32 v1, v0;
	v1 =	vmul.f32 v4, v2;
	v2 =	vbroadcast v7, $0xF;
	_ =	sdelay $0x1  }
0x74: {  	v0 =	vadd.f32 v1, v0;
	v1 =	vmul.f32 v3, v2;
	_ =	sdelay $0x1  }
0x75: {  	v0 =	vadd.f32 v1, v0;
	_ =	sdelay $0x1  }
0x76: {  	(xrf0) =	vmax.scan.msk.f32 $0xffff, v0;
	_ =	sdelay $0x5  }
0x77: {  	v1, _, _ =	vpop (xrf0)  }
0x78: {  	v1 =	vbroadcast v1, $0xF;
	_ =	sdelay $0x1  }
0x79: {  	v0 =	vsub.f32 v0, v1;
	_ =	sdelay $0x1  }
0x7a: {  	v0 =	vmul.f32 $1.442695020e+00, v0;
	_ =	sdelay $0x1  }
0x7b: {  	(erf) = vpow2.f32 v0;
	_ =	sdelay $0x8  }
0x7c: {  	v0 =	vpop (erf)  }
0x7d: {  	(xrf2) =	vadd.scan.msk.f32 $0xffff, v0;
	_ =	sdelay $0x9  }
0x7e: {  	v1, _, _ =	vpop (xrf2)  }
0x7f: {  	v1 =	vbroadcast v1, $0xF;
	_ =	sdelay $0x1  }
0x80: {  	(erf) = vrcp.f32 v1;
	_ =	sdelay $0x8  }
0x81: {  	v1 =	vpop (erf)  }
0x82: {  	v1 =	vmul.f32 v1, v0;
	_ =	sdelay $0x1  }
0x83: {  	(xrf0) =	vmax.scan.msk.f32 $0xffff, v1;
	_ =	sdelay $0x5  }
0x84: {  	v0, _, _ =	vpop (xrf0)  }
0x85: {  	v2 =	vbroadcast v0, $0xF  }
0x86: {  	v3 =	vlaneseq.u32  }
0x87: {  	vm0 =	veq.f32 v1, v2;
	v2 =	vor.u32 $0x80000000, v3  }
0x88: {  	v4 =	vnsel vm0, $0x80000010, v2  }
0x89: {  	(xrf0) =	vmin.scan.msk.u32 $0xffff, v4;
	_ =	sdelay $0x5  }
0x8a: {  	(v2sf) =	vpush v0, $0xF;
	v0, _, _ =	vpop (xrf0)  }
0x8b: {  	(v2sf) =	vpush v0, $0xF;
	_ =	sdelay $0xd  }
0x8c: {  	s22 =	spop (v2sf)  }
0x8d: {  	s9 =	spop (v2sf)  }
0x8e: {  	s9 =	sxor.u32 $0x80000000, s9  }
0x8f: {  	v0 =	vmov s9  }
0x90: {  	vm14 =	veq.s32 v0, v3  }
0x91: {  	v1 =	vsel vm14, $0xBF800000, v1  }
0x92: {  	(xrf0) =	vmax.scan.msk.f32 $0xffff, v1;
	_ =	sdelay $0x5  }
0x93: {  	v4, _, _ =	vpop (xrf0)  }
0x94: {  	(v2sf) =	vpush v4, $0xF;
	_ =	sdelay $0xe  }
0x95: {  	s23 =	spop (v2sf)  }
0x96: {  	s8 =	ssub.f32 s23, s22  }
0x97: {  	v4 =	vbroadcast v4, $0xF  }
0x98: {  	v5 =	vmov s8  }
0x99: {  	vm1 =	veq.f32 v1, v4;
	v1 =	vmul.f32 $1.442695020e+00, v5  }
0x9a: {  	v2 =	vnsel vm1, $0x80000010, v2  }
0x9b: {  	(xrf0) =	vmin.scan.msk.u32 $0xffff, v2;
	v1 =	vbroadcast v1, $0x0;
	_ =	sdelay $0x1  }
0x9c: {  	(erf) = vpow2.f32 v1;
	_ =	sdelay $0x3  }
0x9d: {  	v1, _, _ =	vpop (xrf0)  }
0x9e: {  	(v2sf) =	vpush v1, $0xF;
	_ =	sdelay $0x3  }
0x9f: {  	v2 =	vpop (erf)  }
0xa0: {  	v1 =	vadd.f32 $1.000000000e+00, v2;
	_ =	sdelay $0x1  }
0xa1: {  	(erf) = vrcp.f32 v1;
	_ =	sdelay $0x7  }
0xa2: {  	s24 =	spop (v2sf)  }
0xa3: {  	s8 =	sxor.u32 $0x80000000, s24;
	v4 =	vpop (erf)  }
0xa4: {  	v1 =	vmov s8;
	v2 =	vmul.f32 v4, v2  }
0xa5: {  	vm15 =	veq.s32 v1, v3  }
0xa6: {  	v3 =	vnsel vm14, $0x0, v4;
	v2 =	vnsel vm15, $0x0, v2  }
0xa7: {  	v2 =	vadd.f32 v2, v3;
	_ =	sdelay $0x1  }
0xa8: {  	s25 =	simm.s32 $0x0;
	s26 =	simm.s32 $0x8800;
	s28 =	simm.s32 $0x1;
	[tilespmem:$0x8800] =	vst v2  }
0xa9: {  	[hbm4b:s7+s25] =	stream.linear.scatter [tilespmem:s26], [sflag:$0x1], $0x80, $0x38;
	[tilespmem:$0x9110] =	vst v63  }
0xaa: {  	_ =	swait.ge [sflag:s28], $0x80  }
0xab: {  	s29 =	simm.s32 $0x400;
	[sflag:s28] =	ssyncset.done $0x0  }
0xac: {  	s30 =	simm.s32 $0x8000;
	s7 =	simm.s32 $0x80;
	[sflag:s28] =	ssyncadd.s32 $0xFFFFFF80  }
0xad: {  	[tilespmem:s30], [sflag:$0x1] =	stream.strided.gather [hbm4b:s6+s7], $0x800, s29, s7, $0x38;
	[tilespmem:$0x9110] =	vst v63  }
0xae: {  	_ =	swait.ge [sflag:s28], $0x800  }
0xaf: {  	[sflag:s28] =	ssyncset.done $0x0  }
0xb0: {  	s31 =	simm.s32 $0x0;
	[sflag:s28] =	ssyncadd.s32 $0xFFFFF800  }
0xb1: {  	v2 =	vld [tilespmem:s31+$0x8000];
	_ =	sdelay $0x1  }
0xb2: {  	v3 =	vld [tilespmem:s7+$0xFFFFFF80];
	_ =	sdelay $0x1  }
0xb3: {  	v4 =	vld [tilespmem:s7+$0xFFFFFF90]  }
0xb4: {  	v5 =	vbroadcast v2, $0x0  }
0xb5: {  	v6 =	vld [tilespmem:s7+$0xFFFFFFA0]  }
0xb6: {  	v3 =	vmul.f32 v3, v5;
	v5 =	vbroadcast v2, $0x1  }
0xb7: {  	v7 =	vimm.f32 $0.0e+00;
	v8 =	vld [tilespmem:s7+$0xFFFFFFB0]  }
0xb8: {  	v3 =	vadd.f32 v3, v7;
	v4 =	vmul.f32 v4, v5;
	v5 =	vbroadcast v2, $0x2  }
0xb9: {  	v7 =	vld [tilespmem:s7+$0xFFFFFFC0]  }
0xba: {  	v3 =	vadd.f32 v4, v3;
	v4 =	vmul.f32 v6, v5;
	v5 =	vbroadcast v2, $0x3  }
0xbb: {  	v6 =	vld [tilespmem:s7+$0xFFFFFFD0]  }
0xbc: {  	v3 =	vadd.f32 v4, v3;
	v4 =	vmul.f32 v8, v5;
	v5 =	vbroadcast v2, $0x4  }
0xbd: {  	v8 =	vld [tilespmem:s7+$0xFFFFFFE0]  }
0xbe: {  	v3 =	vadd.f32 v4, v3;
	v4 =	vmul.f32 v7, v5;
	v5 =	vbroadcast v2, $0x5  }
0xbf: {  	v7 =	vld [tilespmem:s7+$0xFFFFFFF0]  }
0xc0: {  	v3 =	vadd.f32 v4, v3;
	v4 =	vmul.f32 v6, v5;
	v5 =	vbroadcast v2, $0x6  }
0xc1: {  	v6 =	vld [tilespmem:s7+$0x0]  }
0xc2: {  	v3 =	vadd.f32 v4, v3;
	v4 =	vmul.f32 v8, v5;
	v5 =	vbroadcast v2, $0x7  }
0xc3: {  	v8 =	vld [tilespmem:s7+$0x10]  }
0xc4: {  	v3 =	vadd.f32 v4, v3;
	v4 =	vmul.f32 v7, v5;
	v5 =	vbroadcast v2, $0x8  }
0xc5: {  	v7 =	vld [tilespmem:s7+$0x20]  }
0xc6: {  	v3 =	vadd.f32 v4, v3;
	v4 =	vmul.f32 v6, v5;
	v5 =	vbroadcast v2, $0x9  }
0xc7: {  	v6 =	vld [tilespmem:s7+$0x30]  }
0xc8: {  	v3 =	vadd.f32 v4, v3;
	v4 =	vmul.f32 v8, v5;
	v5 =	vbroadcast v2, $0xA  }
0xc9: {  	v8 =	vld [tilespmem:s7+$0x40]  }
0xca: {  	v3 =	vadd.f32 v4, v3;
	v4 =	vmul.f32 v7, v5;
	v7 =	vbroadcast v2, $0xB  }
0xcb: {  	v5 =	vld [tilespmem:s7+$0x50]  }
0xcc: {  	v4 =	vadd.f32 v4, v3;
	v6 =	vmul.f32 v6, v7;
	v7 =	vbroadcast v2, $0xC  }
0xcd: {  	v3 =	vld [tilespmem:s7+$0x60]  }
0xce: {  	s8 =	simm.s32 $0x10;
	s6 =	simm.s32 $0x80;
	v6 =	vadd.f32 v6, v4;
	v7 =	vmul.f32 v8, v7;
	v8 =	vbroadcast v2, $0xD;
	v4 =	vld [tilespmem:s7+$0x70]  }
.LBB2_4:
0xcf: {  	p0 =	sne.s32 s6, $0x1FC0;
	v9 =	vld [tilespmem:s8+$0x8000]  }
0xd0: {  	s7 =	sadd.s32 $0x100, s7;
	v6 =	vadd.f32 v7, v6;
	v5 =	vmul.f32 v5, v8;
	v7 =	vbroadcast v2, $0xE  }
0xd1: {  	v8 =	vld [tilespmem:s7+$0xFFFFFF80]  }
0xd2: {  	v10 =	vbroadcast v2, $0xF;
	v5 =	vadd.f32 v5, v6;
	v3 =	vmul.f32 v3, v7  }
0xd3: {  	v6 =	vld [tilespmem:s7+$0xFFFFFF90]  }
0xd4: {  	v4 =	vmul.f32 v4, v10;
	v7 =	vbroadcast v9, $0x0;
	v3 =	vadd.f32 v3, v5;
	v2 =	vmovc v9  }
0xd5: {  	v5 =	vld [tilespmem:s7+$0xFFFFFFA0]  }
0xd6: {  	v7 =	vmul.f32 v8, v7;
	v8 =	vbroadcast v2, $0x1;
	v3 =	vadd.f32 v4, v3  }
0xd7: {  	v4 =	vld [tilespmem:s7+$0xFFFFFFB0]  }
0xd8: {  	v3 =	vadd.f32 v7, v3;
	v6 =	vmul.f32 v6, v8;
	v7 =	vbroadcast v2, $0x2  }
0xd9: {  	v8 =	vld [tilespmem:s7+$0xFFFFFFC0]  }
0xda: {  	v3 =	vadd.f32 v6, v3;
	v5 =	vmul.f32 v5, v7;
	v6 =	vbroadcast v2, $0x3  }
0xdb: {  	v7 =	vld [tilespmem:s7+$0xFFFFFFD0]  }
0xdc: {  	v3 =	vadd.f32 v5, v3;
	v4 =	vmul.f32 v4, v6;
	v5 =	vbroadcast v2, $0x4  }
0xdd: {  	v6 =	vld [tilespmem:s7+$0xFFFFFFE0]  }
0xde: {  	v3 =	vadd.f32 v4, v3;
	v4 =	vmul.f32 v8, v5;
	v5 =	vbroadcast v2, $0x5  }
0xdf: {  	v8 =	vld [tilespmem:s7+$0xFFFFFFF0]  }
0xe0: {  	v3 =	vadd.f32 v4, v3;
	v4 =	vmul.f32 v7, v5;
	v5 =	vbroadcast v2, $0x6  }
0xe1: {  	v7 =	vld [tilespmem:s7+$0x0]  }
0xe2: {  	v3 =	vadd.f32 v4, v3;
	v4 =	vmul.f32 v6, v5;
	v5 =	vbroadcast v2, $0x7  }
0xe3: {  	v6 =	vld [tilespmem:s7+$0x10]  }
0xe4: {  	v3 =	vadd.f32 v4, v3;
	v4 =	vmul.f32 v8, v5;
	v5 =	vbroadcast v2, $0x8  }
0xe5: {  	v8 =	vld [tilespmem:s7+$0x20]  }
0xe6: {  	v3 =	vadd.f32 v4, v3;
	v4 =	vmul.f32 v7, v5;
	v5 =	vbroadcast v2, $0x9  }
0xe7: {  	v7 =	vld [tilespmem:s7+$0x30]  }
0xe8: {  	v3 =	vadd.f32 v4, v3;
	v4 =	vmul.f32 v6, v5;
	v5 =	vbroadcast v2, $0xA  }
0xe9: {  	v9 =	vld [tilespmem:s7+$0x40]  }
.Ltmp2:
0xea: {  	v6 =	vbroadcast v2, $0xB;
	v3 =	vadd.f32 v4, v3;
	v4 =	vmul.f32 v8, v5;
	(pc) =	sbr.rel @p0 .LBB2_4-.Ltmp2, $4  }
0xeb: {  	v5 =	vld [tilespmem:s7+$0x50]  }
0xec: {  	v4 =	vadd.f32 v4, v3;
	v6 =	vmul.f32 v7, v6;
	v7 =	vbroadcast v2, $0xC  }
0xed: {  	v3 =	vld [tilespmem:s7+$0x60]  }
0xee: {  	s8 =	sshra.s32 s6, $0x2;
	s6 =	sadd.s32 $0x40, s6;
	v8 =	vbroadcast v2, $0xD;
	v6 =	vadd.f32 v6, v4;
	v7 =	vmul.f32 v9, v7;
	v4 =	vld [tilespmem:s7+$0x70]  }
0xef: {  	v9 =	vld [tilespmem:s8+$0x8000]  }
0xf0: {  	v52 =	vbroadcast v2, $0xE;
	s6 =	sadd.s32 $0x100, s7;
	v6 =	vadd.f32 v7, v6;
	v5 =	vmul.f32 v5, v8  }
0xf1: {  	v53 =	vld [tilespmem:s6+$0xFFFFFF80]  }
0xf2: {  	v54 =	vbroadcast v2, $0xF;
	v5 =	vadd.f32 v5, v6;
	v3 =	vmul.f32 v3, v52  }
0xf3: {  	v55 =	vld [tilespmem:s6+$0xFFFFFF90]  }
0xf4: {  	v2 =	vmul.f32 v4, v54;
	v56 =	vbroadcast v9, $0x0;
	v3 =	vadd.f32 v3, v5  }
0xf5: {  	v57 =	vld [tilespmem:s6+$0xFFFFFFA0]  }
0xf6: {  	v59 =	vbroadcast v9, $0x1;
	v58 =	vmul.f32 v53, v56;
	v2 =	vadd.f32 v2, v3  }
0xf7: {  	v60 =	vld [tilespmem:s6+$0xFFFFFFB0]  }
0xf8: {  	v62 =	vbroadcast v9, $0x2;
	v61 =	vmul.f32 v55, v59;
	v2 =	vadd.f32 v58, v2  }
0xf9: {  	v63 =	vld [tilespmem:s6+$0xFFFFFFC0]  }
0xfa: {  	v10 =	vbroadcast v9, $0x3;
	v4 =	vmul.f32 v57, v62;
	v2 =	vadd.f32 v61, v2  }
0xfb: {  	v11 =	vld [tilespmem:s6+$0xFFFFFFD0]  }
0xfc: {  	v12 =	vbroadcast v9, $0x4;
	v3 =	vmul.f32 v60, v10;
	v2 =	vadd.f32 v4, v2  }
0xfd: {  	v13 =	vld [tilespmem:s6+$0xFFFFFFE0]  }
0xfe: {  	v15 =	vbroadcast v9, $0x5;
	v14 =	vmul.f32 v63, v12;
	v2 =	vadd.f32 v3, v2  }
0xff: {  	v16 =	vld [tilespmem:s6+$0xFFFFFFF0]  }
0x100: {  	v18 =	vbroadcast v9, $0x6;
	v17 =	vmul.f32 v11, v15;
	v2 =	vadd.f32 v14, v2  }
0x101: {  	v19 =	vld [tilespmem:s6+$0x0]  }
0x102: {  	v21 =	vbroadcast v9, $0x7;
	v20 =	vmul.f32 v13, v18;
	v2 =	vadd.f32 v17, v2  }
0x103: {  	v22 =	vld [tilespmem:s6+$0x10]  }
0x104: {  	v24 =	vbroadcast v9, $0x8;
	v23 =	vmul.f32 v16, v21;
	v2 =	vadd.f32 v20, v2  }
0x105: {  	v25 =	vld [tilespmem:s6+$0x20]  }
0x106: {  	v27 =	vbroadcast v9, $0x9;
	v26 =	vmul.f32 v19, v24;
	v2 =	vadd.f32 v23, v2  }
0x107: {  	v28 =	vld [tilespmem:s6+$0x30]  }
0x108: {  	v30 =	vbroadcast v9, $0xA;
	v29 =	vmul.f32 v22, v27;
	v2 =	vadd.f32 v26, v2  }
0x109: {  	v31 =	vld [tilespmem:s6+$0x40]  }
0x10a: {  	v33 =	vbroadcast v9, $0xB;
	v32 =	vmul.f32 v25, v30;
	v2 =	vadd.f32 v29, v2  }
0x10b: {  	v34 =	vld [tilespmem:s6+$0x50]  }
0x10c: {  	v36 =	vbroadcast v9, $0xC;
	v35 =	vmul.f32 v28, v33;
	v2 =	vadd.f32 v32, v2  }
0x10d: {  	v37 =	vld [tilespmem:s6+$0x60]  }
0x10e: {  	v39 =	vbroadcast v9, $0xD;
	v38 =	vmul.f32 v31, v36;
	v2 =	vadd.f32 v35, v2  }
0x10f: {  	v40 =	vld [tilespmem:s6+$0x70]  }
0x110: {  	v42 =	vbroadcast v9, $0xE;
	v41 =	vmul.f32 v34, v39;
	v2 =	vadd.f32 v38, v2;
	_ =	sdelay $0x1  }
0x111: {  	v44 =	vbroadcast v9, $0xF;
	v43 =	vmul.f32 v37, v42;
	v2 =	vadd.f32 v41, v2;
	_ =	sdelay $0x1  }
0x112: {  	v45 =	vmul.f32 v40, v44;
	v2 =	vadd.f32 v43, v2;
	_ =	sdelay $0x1  }
0x113: {  	v2 =	vadd.f32 v45, v2;
	_ =	sdelay $0x1  }
0x114: {  	(xrf0) =	vmax.scan.msk.f32 $0xffff, v2;
	_ =	sdelay $0x5  }
0x115: {  	v46, _, _ =	vpop (xrf0)  }
0x116: {  	v3 =	vbroadcast v46, $0xF;
	_ =	sdelay $0x1  }
0x117: {  	v2 =	vsub.f32 v2, v3;
	_ =	sdelay $0x1  }
0x118: {  	v2 =	vmul.f32 $1.442695020e+00, v2;
	_ =	sdelay $0x1  }
0x119: {  	(erf) = vpow2.f32 v2;
	_ =	sdelay $0x8  }
0x11a: {  	v2 =	vpop (erf)  }
0x11b: {  	(xrf2) =	vadd.scan.msk.f32 $0xffff, v2;
	_ =	sdelay $0x9  }
0x11c: {  	v47, _, _ =	vpop (xrf2)  }
0x11d: {  	v3 =	vbroadcast v47, $0xF;
	_ =	sdelay $0x1  }
0x11e: {  	(erf) = vrcp.f32 v3;
	_ =	sdelay $0x8  }
0x11f: {  	v3 =	vpop (erf)  }
0x120: {  	v2 =	vmul.f32 v3, v2;
	_ =	sdelay $0x1  }
0x121: {  	(xrf0) =	vmax.scan.msk.f32 $0xffff, v2;
	_ =	sdelay $0x5  }
0x122: {  	v48, _, _ =	vpop (xrf0)  }
0x123: {  	v49 =	vbroadcast v48, $0xF  }
0x124: {  	v50 =	vlaneseq.u32  }
0x125: {  	v51 =	vor.u32 $0x80000000, v50;
	vm0 =	veq.f32 v2, v49  }
0x126: {  	v52 =	vnsel vm0, $0x80000010, v51  }
0x127: {  	(xrf0) =	vmin.scan.msk.u32 $0xffff, v52;
	_ =	sdelay $0x5  }
0x128: {  	(v2sf) =	vpush v48, $0xF;
	v53, _, _ =	vpop (xrf0)  }
0x129: {  	(v2sf) =	vpush v53, $0xF;
	_ =	sdelay $0xd  }
0x12a: {  	s24 =	spop (v2sf)  }
0x12b: {  	s25 =	spop (v2sf)  }
0x12c: {  	s7 =	sxor.u32 $0x80000000, s25  }
0x12d: {  	v54 =	vmov s7  }
0x12e: {  	vm14 =	veq.s32 v54, v50  }
0x12f: {  	v2 =	vsel vm14, $0xBF800000, v2  }
0x130: {  	(xrf0) =	vmax.scan.msk.f32 $0xffff, v2;
	_ =	sdelay $0x5  }
0x131: {  	v55, _, _ =	vpop (xrf0)  }
0x132: {  	(v2sf) =	vpush v55, $0xF;
	_ =	sdelay $0xe  }
0x133: {  	s26 =	spop (v2sf)  }
0x134: {  	s6 =	ssub.f32 s26, s24  }
0x135: {  	v3 =	vbroadcast v55, $0xF  }
0x136: {  	v56 =	vmov s6  }
0x137: {  	vm1 =	veq.f32 v2, v3;
	v57 =	vmul.f32 $1.442695020e+00, v56  }
0x138: {  	v3 =	vnsel vm1, $0x80000010, v51  }
0x139: {  	(xrf0) =	vmin.scan.msk.u32 $0xffff, v3;
	v2 =	vbroadcast v57, $0x0;
	_ =	sdelay $0x1  }
0x13a: {  	(erf) = vpow2.f32 v2;
	_ =	sdelay $0x3  }
0x13b: {  	v58, _, _ =	vpop (xrf0)  }
0x13c: {  	(v2sf) =	vpush v58, $0xF;
	_ =	sdelay $0x3  }
0x13d: {  	v59 =	vpop (erf)  }
0x13e: {  	v60 =	vadd.f32 $1.000000000e+00, v59;
	_ =	sdelay $0x1  }
0x13f: {  	(erf) = vrcp.f32 v60;
	_ =	sdelay $0x7  }
0x140: {  	s28 =	spop (v2sf)  }
0x141: {  	s6 =	sxor.u32 $0x80000000, s28;
	v3 =	vpop (erf)  }
0x142: {  	v61 =	vmov s6;
	v2 =	vmul.f32 v3, v59  }
0x143: {  	vm15 =	veq.s32 v61, v50  }
0x144: {  	v3 =	vnsel vm14, $0x0, v3;
	v2 =	vnsel vm15, $0x0, v2  }
0x145: {  	v2 =	vadd.f32 v2, v3;
	_ =	sdelay $0x1  }
0x146: {  	s29 =	simm.s32 $0x0;
	s30 =	simm.s32 $0x8800;
	s31 =	simm.s32 $0x1;
	[tilespmem:$0x8800] =	vst v2  }
0x147: {  	vm2 =	veq.s32 v1, v50;
	vm3 =	veq.s32 v0, v50;
	[hbm4b:s5+s29] =	stream.linear.scatter [tilespmem:s30], [sflag:$0x1], $0x80, $0x38;
	[tilespmem:$0x9110] =	vst v63  }
0x148: {  	vm2 =	vmor vm3, vm2;
	v62 =	vimm.f32 $0.0e+00;
	vm0 =	vmor vm14, vm15;
	_ =	swait.ge [sflag:s31], $0x80  }
0x149: {  	v63 =	vsel vm2, $0x3F800000, v62;
	v0 =	vsel vm0, $0x3F800000, v62;
	[sflag:s31] =	ssyncset.done $0x0  }
0x14a: {  	v0 =	vmax.f32 v63, v0;
	[sflag:s31] =	ssyncadd.s32 $0xFFFFFF80  }
0x14b: {  	[tilespmem:$0x8800] =	vst v0  }
0x14c: {  	[spmem:s4] =	stream.linear.scatter [tilespmem:s30], [sflag:$0x1], $0x80, $0x38;
	[tilespmem:$0x9110] =	vst v63  }
0x14d: {  	_ =	swait.ge [sflag:s31], $0x80  }
0x14e: {  	[sflag:s31] =	ssyncset.done $0x0  }
0x14f: {  	p0 =	sne.s32 s1, $0x0;
	[sflag:s31] =	ssyncadd.s32 $0xFFFFFF80  }
0x150: {  	s4 =	simm.s32 @!p0 $0x8900;
	[bflag:$0x0] =	sbarrier.arrive $0xFFFF  }
0x151: {  	[tilespmem:s4], [sflag:$0x1] =	stream.linear.gather @!p0 [spmem:s2], $0x800, $0x38;
	[tilespmem:$0x9110] =	vst v63  }
0x152: {  	s2 =	simm.s32 @!p0 $0x1  }
0x153: {  	_ =	swait.ge @!p0 [sflag:s2], $0x800  }
0x154: {  	[sflag:s2] =	ssyncset.done @!p0 $0x0  }
0x155: {  	[sflag:s2] =	ssyncadd.s32 @!p0 $0xFFFFF800  }
0x156: {  	v0 =	vld @!p0 [tilespmem:$0x8900]  }
0x157: {  	v1 =	vld @!p0 [tilespmem:$0x8980]  }
0x158: {  	v2 =	vld @!p0 [tilespmem:$0x8A00]  }
0x159: {  	v3 =	vld @!p0 [tilespmem:$0x8A80]  }
0x15a: {  	v4 =	vld @!p0 [tilespmem:$0x8B00]  }
0x15b: {  	v5 =	vld @!p0 [tilespmem:$0x8B80]  }
0x15c: {  	v0 =	vmax.f32 @!p0 v0, v1;
	v1 =	vld @!p0 [tilespmem:$0x8C00]  }
0x15d: {  	v0 =	vmax.f32 @!p0 v0, v2;
	v2 =	vld @!p0 [tilespmem:$0x8C80]  }
0x15e: {  	v0 =	vmax.f32 @!p0 v0, v3;
	v3 =	vld @!p0 [tilespmem:$0x8D00]  }
0x15f: {  	v0 =	vmax.f32 @!p0 v0, v4;
	v4 =	vld @!p0 [tilespmem:$0x8D80]  }
0x160: {  	v0 =	vmax.f32 @!p0 v0, v5;
	v5 =	vld @!p0 [tilespmem:$0x8E00]  }
0x161: {  	v0 =	vmax.f32 @!p0 v0, v1;
	v1 =	vld @!p0 [tilespmem:$0x8E80]  }
0x162: {  	v0 =	vmax.f32 @!p0 v0, v2;
	v2 =	vld @!p0 [tilespmem:$0x8F00]  }
0x163: {  	v0 =	vmax.f32 @!p0 v0, v3;
	v3 =	vld @!p0 [tilespmem:$0x8F80]  }
0x164: {  	v0 =	vmax.f32 @!p0 v0, v4;
	v4 =	vld @!p0 [tilespmem:$0x9000]  }
0x165: {  	v0 =	vmax.f32 @!p0 v0, v5;
	v5 =	vld @!p0 [tilespmem:$0x9080]  }
0x166: {  	v0 =	vmax.f32 @!p0 v0, v1  }
0x167: {  	v0 =	vmax.f32 @!p0 v0, v2  }
0x168: {  	v0 =	vmax.f32 @!p0 v0, v3  }
0x169: {  	v0 =	vmax.f32 @!p0 v0, v4  }
0x16a: {  	v1 =	vlaneseq.u32 @!p0;
	v0 =	vmax.f32 @!p0 v0, v5  }
0x16b: {  	vm0 =	vgt.f32 @!p0 v0, $0.0e+00;
	v0 =	vor.u32 @!p0 $0x80000000, v1  }
0x16c: {  	v1 =	vnsel @!p0 vm0, $0x7FFFFFFF, v0  }
0x16d: {  	v0 =	vnsel @!p0 vm0, $0x80000010, v0;
	(xrf0) =	vmax.scan.msk.u32 @!p0 $0xffff, v1  }
0x16e: {  	(xrf0) =	vmin.scan.msk.u32 @!p0 $0xffff, v0;
	_ =	sdelay $0x4  }
0x16f: {  	v0, _, _ =	vpop @!p0 (xrf0)  }
0x170: {  	v1, _, _ =	vpop @!p0 (xrf0)  }
0x171: {  	(v2sf) =	vpush @!p0 v1, $0xF;
	_ =	sdelay $0xe  }
0x172: {  	s4 =	spop @!p0 (v2sf)  }
0x173: {  	vm0 =	vlt.s32 @!p0 v0, $0x0;
	v1 =	vxor.u32 @!p0 $0x80000000, v0;
	s4 =	sxor.u32 @!p0 $0x80000000, s4  }
0x174: {  	v0 =	vnsel @!p0 vm0, s4, v1  }
0x175: {  	s5 =	simm.s32 @!p0 $0x8880;
	s4 =	simm.s32 @!p0 $0x0;
	[tilespmem:$0x8880] =	vst @!p0 v0  }
0x176: {  	[hbm4b:s3+s4] =	stream.linear.scatter @!p0 [tilespmem:s5], [sflag:$0x1], $0x80, $0x38;
	[tilespmem:$0x9110] =	vst v63  }
0x177: {  	_ =	swait.ge @!p0 [sflag:s2], $0x80  }
0x178: {  	[sflag:s2] =	ssyncset.done @!p0 $0x0  }
0x179: {  	[sflag:s2] =	ssyncadd.s32 @!p0 $0xFFFFFF80  }
.LBB2_6:
0x17a: {  	_ =	sfence.sel $0x180000  }
0x17b: {  	[bflag:$0x0] =	sbarrier.arrive $0xFFFF  }
0x17c: {  	p0 =	sne.s32 s1, $0x0;
	_ =	strace $0x90000047  }
0x17d: {  	s0 =	sadd.s32 @!p0 $0x100000, s0;
	[bflag:$0x2] =	sbarrier.arrive $0xFFFF  }
0x17e: {  	[sflag:s0] =	ssyncadd.tile.s32 @!p0 $0x1;
	_ =	shalt  }
.Lfunc_end2:
_tile_overlayer_lowered:
.L_overlay_start_2:
0x17f: {  	(tag) =	ssettag $0x2  }
0x180: {  	s0 =	rddreg [dreg:$0x0];
	s2 =	stileid.u32  }
0x181: {  	s1 =	rddreg [dreg:$0x1];
	p0 =	sne.s32 s2, $0x0  }
0x182: {  	s3 =	rddreg [dreg:$0x2];
	[bflag:$0x3] =	sbarrier.arrive $0xFFFF;
	s2 =	simm.s32 @!p0 $0x1C01  }
0x183: {  	[timem:s3], [sflag:s2] =	dma.local @!p0 [hbm:s0], s1  }
0x184: {  	s0 =	simm.s32 @!p0 $0x1  }
0x185: {  	_ =	swait.ge @!p0 [sflag:s0], s1  }
0x186: {  	s1 =	ssub.s32 @!p0 $0x0, s1;
	[sflag:s0] =	ssyncset.done @!p0 $0x0  }
0x187: {  	[sflag:s0] =	ssyncadd.s32 @!p0 s1  }
0x188: {  	[bflag:$0x3] =	sbarrier.arrive $0xFFFF  }
0x189: {  	_ =	shalt  }

</sc_bundles>
